<compile_context>
chip_gen: v7x
topology: tpu7x:2x2x1
jax: 0.10.2.dev20260603
libtpu: 0.0.44.dev20260713+nightly
codegen_flags: <defaults>
</compile_context>

<pallas_src>
import functools

import jax
import jax.numpy as jnp
from jax import lax
from jax.experimental import pallas as pl
from jax.experimental.pallas import tpu as pltpu
from jax.experimental.pallas import tpu_sc as plsc


def _make_sc_aggregate(n_nodes, n_edges, n_slices, ch_half):
    NTILES = 16
    CH = 80
    edges_per_tile = n_edges // NTILES
    n_chunks = edges_per_tile // CH
    rows_per_tile = n_nodes // NTILES
    ZR = 128
    n_zero = rows_per_tile // ZR
    assert edges_per_tile * NTILES == n_edges and n_chunks * CH == edges_per_tile
    assert rows_per_tile * NTILES == n_nodes and n_zero * ZR == rows_per_tile
    assert rows_per_tile % 8 == 0

    assert n_chunks % 2 == 1
    mesh = plsc.VectorSubcoreMesh(core_axis_name="c", subcore_axis_name="s")

    @functools.partial(
        pl.kernel,
        mesh=mesh,
        out_type=jax.ShapeDtypeStruct((n_slices * 2 * n_nodes, ch_half),
                                      jnp.float32),
        scratch_types=[
            pltpu.VMEM((CH,), jnp.int32),
            pltpu.VMEM((CH,), jnp.int32),
            pltpu.VMEM((CH,), jnp.int32),
            pltpu.VMEM((CH,), jnp.int32),
            pltpu.VMEM((CH, ch_half), jnp.float32),
            pltpu.VMEM((CH, ch_half), jnp.float32),
            pltpu.VMEM((ZR, ch_half), jnp.float32),
            pltpu.VMEM_SHARED((n_nodes, ch_half), jnp.float32),
            pltpu.SemaphoreType.DMA,
            pltpu.SemaphoreType.DMA,
        ],
    )
    def g_all(u_hbm, rows_hbm, cols_hbm, zeros_hbm, out_hbm,
              idx0, idx1, idxc0, idxc1, gbuf0, gbuf1, zbuf, acc,
              sem0, sem1):
        cid = lax.axis_index("c")
        sid = lax.axis_index("s")
        ebase = sid * edges_per_tile
        rbase = sid * rows_per_tile
        pltpu.sync_copy(zeros_hbm, zbuf)

        def per_slice(s, carry):
            for t in range(n_zero):
                pltpu.sync_copy(zbuf, acc.at[pl.ds(rbase + t * ZR, ZR)])
            plsc.subcore_barrier()

            off = (s * 2 + cid) * n_nodes
            offv = jnp.full((16,), 0, jnp.int32) + off

            def prep(idx, idxc, c):
                base = ebase + c * CH
                pltpu.sync_copy(rows_hbm.at[pl.ds(base, CH)], idx)
                pltpu.sync_copy(cols_hbm.at[pl.ds(base, CH)], idxc)
                for t in range(CH // 16):
                    sl = pl.ds(t * 16, 16)
                    idx[sl] = idx[sl] + offv

            def gather(idx, gbuf, sem):
                pltpu.async_copy(u_hbm.at[idx], gbuf, sem)

            def wait(idx, gbuf, sem):
                pltpu.make_async_copy(u_hbm.at[idx], gbuf, sem).wait()

            def scat(gbuf, idxc):
                pltpu.sync_copy(gbuf, acc.at[idxc], add=True)

            prep(idx0, idxc0, 0)
            gather(idx0, gbuf0, sem0)

            def per_pair(j, carry2):
                c0 = 2 * j
                prep(idx1, idxc1, c0 + 1)
                gather(idx1, gbuf1, sem1)
                wait(idx0, gbuf0, sem0)
                scat(gbuf0, idxc0)
                prep(idx0, idxc0, c0 + 2)
                gather(idx0, gbuf0, sem0)
                wait(idx1, gbuf1, sem1)
                scat(gbuf1, idxc1)
                return carry2

            lax.fori_loop(0, (n_chunks - 1) // 2, per_pair, 0)
            wait(idx0, gbuf0, sem0)
            scat(gbuf0, idxc0)

            plsc.subcore_barrier()
            pltpu.sync_copy(acc.at[pl.ds(rbase, rows_per_tile)],
                            out_hbm.at[pl.ds(off + rbase, rows_per_tile)])
            plsc.subcore_barrier()
            return carry

        lax.fori_loop(0, n_slices, per_slice, 0)

    return g_all


def _tc_matmul_body(x_ref, u1_ref, u2_ref, dis_ref, wa_ref, w1_ref, w2_ref,
                    b_ref, o_ref, sum_ref, sq_ref):
    ch = u1_ref.shape[-1]
    x = x_ref[0]
    d = dis_ref[...]
    f32 = jnp.float32
    o = jnp.dot(x, wa_ref[...], preferred_element_type=f32)
    o = o + jnp.dot(u1_ref[0, 0] * (-d), w1_ref[:ch, :],
                    preferred_element_type=f32)
    o = o + jnp.dot(u1_ref[0, 1] * (-d), w1_ref[ch:, :],
                    preferred_element_type=f32)
    o = o + jnp.dot(u2_ref[0, 0] * (2.0 * d), w2_ref[:ch, :],
                    preferred_element_type=f32)
    o = o + jnp.dot(u2_ref[0, 1] * (2.0 * d), w2_ref[ch:, :],
                    preferred_element_type=f32)
    o = o + b_ref[...]
    o_ref[0] = o
    ps = jnp.sum(o, axis=0, keepdims=True)
    pq = jnp.sum(o * o, axis=0, keepdims=True)

    @pl.when(pl.program_id(1) == 0)
    def _init():
        sum_ref[0] = ps
        sq_ref[0] = pq

    @pl.when(pl.program_id(1) != 0)
    def _acc():
        sum_ref[0] += ps
        sq_ref[0] += pq


def _tc_bn_body(o_ref, mu_ref, sc_ref, be_ref, out_ref):
    out_ref[0] = jnp.maximum(
        (o_ref[0] - mu_ref[0]) * sc_ref[0] + be_ref[...], 0.0)


def kernel(x, edge_index, W, bias, gamma, beta):
    B, T, N, C_IN = x.shape
    E = edge_index.shape[1]
    K, _, C_OUT = W.shape
    S = B * T
    CH_HALF = C_IN // 2

    row, col = edge_index[0], edge_index[1]
    deg = jnp.zeros((N,), jnp.float32).at[row].add(1.0)
    dis = jnp.where(deg > 0, lax.rsqrt(deg), 0.0)

    NP = ((N + 2047) // 2048) * 2048
    xf = x.reshape(S, N, C_IN)
    hs = (xf * dis[None, :, None]).reshape(S, N, 2, CH_HALF)
    hs = jnp.pad(hs, ((0, 0), (0, NP - N), (0, 0), (0, 0)))
    hs_flat = hs.transpose(0, 2, 1, 3).reshape(S * 2 * NP, CH_HALF)

    g_all = _make_sc_aggregate(NP, E, S, CH_HALF)
    zeros_tile = jnp.zeros((128, CH_HALF), jnp.float32)

    u1_flat = g_all(hs_flat, row, col, zeros_tile)
    d2p = jnp.pad(dis * dis, (0, NP - N))
    d2t = jnp.tile(d2p, S * 2)[:, None]
    u2_flat = g_all(u1_flat * d2t, row, col, zeros_tile)

    u1r = u1_flat.reshape(S, 2, NP, CH_HALF)[:, :, :N, :]
    u2r = u2_flat.reshape(S, 2, NP, CH_HALF)[:, :, :N, :]

    NB = 5
    BN_ROWS = N // NB
    o, sums, sq = pl.pallas_call(
        _tc_matmul_body,
        grid=(S, NB),
        in_specs=[
            pl.BlockSpec((1, BN_ROWS, C_IN), lambda s, b: (s, b, 0)),
            pl.BlockSpec((1, 2, BN_ROWS, CH_HALF), lambda s, b: (s, 0, b, 0)),
            pl.BlockSpec((1, 2, BN_ROWS, CH_HALF), lambda s, b: (s, 0, b, 0)),
            pl.BlockSpec((BN_ROWS, 1), lambda s, b: (b, 0)),
            pl.BlockSpec((C_IN, C_OUT), lambda s, b: (0, 0)),
            pl.BlockSpec((C_IN, C_OUT), lambda s, b: (0, 0)),
            pl.BlockSpec((C_IN, C_OUT), lambda s, b: (0, 0)),
            pl.BlockSpec((1, C_OUT), lambda s, b: (0, 0)),
        ],
        out_specs=[
            pl.BlockSpec((1, BN_ROWS, C_OUT), lambda s, b: (s, b, 0)),
            pl.BlockSpec((1, 1, C_OUT), lambda s, b: (s, 0, 0)),
            pl.BlockSpec((1, 1, C_OUT), lambda s, b: (s, 0, 0)),
        ],
        out_shape=[
            jax.ShapeDtypeStruct((S, N, C_OUT), jnp.float32),
            jax.ShapeDtypeStruct((S, 1, C_OUT), jnp.float32),
            jax.ShapeDtypeStruct((S, 1, C_OUT), jnp.float32),
        ],
    )(xf, u1r, u2r, dis[:, None], W[0] - W[2], W[1], W[2], bias[None, :])

    mu = sums / N
    var = sq / N - mu * mu
    scale = gamma[None, None, :] * lax.rsqrt(var + 1e-5)

    out = pl.pallas_call(
        _tc_bn_body,
        grid=(S, NB),
        in_specs=[
            pl.BlockSpec((1, BN_ROWS, C_OUT), lambda s, b: (s, b, 0)),
            pl.BlockSpec((1, 1, C_OUT), lambda s, b: (s, 0, 0)),
            pl.BlockSpec((1, 1, C_OUT), lambda s, b: (s, 0, 0)),
            pl.BlockSpec((1, C_OUT), lambda s, b: (0, 0)),
        ],
        out_specs=pl.BlockSpec((1, BN_ROWS, C_OUT), lambda s, b: (s, b, 0)),
        out_shape=jax.ShapeDtypeStruct((S, N, C_OUT), jnp.float32),
    )(o, mu, scale, beta[None, :])

    return out.reshape(B, T, N, C_OUT)

# --- scband reference (transcript-rebuilt; emitter-appended) ---
"""Pipeline reference for scband-spatial-graph-conv-layer-7490422964881 (READ-ONLY COPY).

The authoritative reference and input builder live on the scoring server;
editing this copy changes nothing except your own understanding.
"""

import jax, jax.numpy as jnp
import numpy as np

B, T, N, E = 2, 4, 10000, 160000
C_IN, C_OUT, K = 256, 256, 3

def setup_inputs(seed: int = 0):
    key = jax.random.key(seed)
    ks = jax.random.split(key, 4)
    x = jax.random.normal(ks[0], (B, T, N, C_IN), dtype=jnp.float32)
    edge_index = jax.random.randint(ks[1], (2, E), 0, N, dtype=jnp.int32)
    # ChebConv parameters: K linear weights [C_IN, C_OUT], shared bias [C_OUT]
    W = jax.random.normal(ks[2], (K, C_IN, C_OUT), dtype=jnp.float32) * (1.0 / np.sqrt(C_IN))
    bias = jnp.zeros((C_OUT,), dtype=jnp.float32)
    # BatchNorm1d affine params
    gamma = jnp.ones((C_OUT,), dtype=jnp.float32)
    beta = jnp.zeros((C_OUT,), dtype=jnp.float32)
    return {"x": x, "edge_index": edge_index, "W": W, "bias": bias, "gamma": gamma, "beta": beta}

def reference(x, edge_index, W, bias, gamma, beta):
    row, col = edge_index[0], edge_index[1]
    ew = jnp.ones((E,), dtype=x.dtype)
    # get_laplacian(normalization='sym'): L = I - D^{-1/2} A D^{-1/2}
    # ChebConv scaling with default lambda_max=2.0 then add_self_loops(fill=-1)
    # yields L_hat with zero diagonal and off-diag weights -d_i^{-1/2} w d_j^{-1/2}
    deg = jnp.zeros((N,), x.dtype).at[row].add(ew)
    dis = jnp.where(deg > 0, 1.0 / jnp.sqrt(deg), 0.0)
    norm = -dis[row] * ew * dis[col]

    def prop(h):  # h: [N, C]; message x_j * norm aggregated at target (col)
        return jnp.zeros_like(h).at[col].add(norm[:, None] * h[row])

    def cheb(h):  # ChebConv forward on one [N, C_IN] slice
        Tx0 = h
        out = Tx0 @ W[0]
        Tx1 = prop(Tx0)
        out = out + Tx1 @ W[1]
        Tx_prev, Tx_cur = Tx0, Tx1
        for k in range(2, K):
            Tx2 = 2.0 * prop(Tx_cur) - Tx_prev
            out = out + Tx2 @ W[k]
            Tx_prev, Tx_cur = Tx_cur, Tx2
        return out + bias

    def per_slice(h):  # conv -> BatchNorm1d (training-mode batch stats) -> relu
        o = cheb(h)
        mu = jnp.mean(o, axis=0)
        var = jnp.var(o, axis=0)
        o = (o - mu) / jnp.sqrt(var + 1e-5) * gamma + beta
        return jax.nn.relu(o)

    return jax.vmap(jax.vmap(per_slice))(x)  # loop over batch and time dims

if __name__ == "__main__":
    import jax
    _d = setup_inputs()
    print(jax.jit(kernel)(*tuple(_d.values())))

</pallas_src>

<mosaic_0001>
#map = affine_map<(d0, d1) -> (0, 0)>
#map1 = affine_map<(d0, d1) -> (0)>
module attributes {stable_mosaic.version = 14 : i64} {
  func.func @g_all(%arg0: i32, %arg1: i32, %arg2: memref<163840x128xf32, #tpu.memory_space<hbm>>, %arg3: memref<160000xi32, #tpu.memory_space<hbm>>, %arg4: memref<160000xi32, #tpu.memory_space<hbm>>, %arg5: memref<128x128xf32, #tpu.memory_space<hbm>>, %arg6: memref<163840x128xf32, #tpu.memory_space<hbm>>, %arg7: memref<80xi32, #tpu.memory_space<vmem>>, %arg8: memref<80xi32, #tpu.memory_space<vmem>>, %arg9: memref<80xi32, #tpu.memory_space<vmem>>, %arg10: memref<80xi32, #tpu.memory_space<vmem>>, %arg11: memref<80x128xf32, #tpu.memory_space<vmem>>, %arg12: memref<80x128xf32, #tpu.memory_space<vmem>>, %arg13: memref<128x128xf32, #tpu.memory_space<vmem>>, %arg14: memref<10240x128xf32, #tpu.memory_space<vmem_shared>>, %arg15: memref<!tpu.dma_semaphore, #tpu.memory_space<semaphore_mem>>, %arg16: memref<!tpu.dma_semaphore, #tpu.memory_space<semaphore_mem>>) attributes {dimension_semantics = [#tpu.dimension_semantics<core_parallel>, #tpu.dimension_semantics<subcore_parallel>], iteration_bounds = array<i64: 2, 16>, scalar_prefetch = 0 : i64, scratch_operands = 10 : i64, tpu.core_type = #tpu.core_type<sc_vector_subcore>, window_params = [{transform_indices = #map}, {transform_indices = #map1}, {transform_indices = #map1}, {transform_indices = #map}, {transform_indices = #map}]} {
    %mul3A = arith.constant 10000 : i32
    %mul3A_0 = arith.muli %arg1, %mul3A : i32
    %mul3A_1 = arith.constant 640 : i32
    %mul3A_2 = arith.muli %arg1, %mul3A_1 : i32
    "tpu.region"() ({
      %run_scoped3A = tpu.sem_alloc : memref<!tpu.dma_semaphore, #tpu.memory_space<semaphore_mem>>
      tpu.enqueue_dma source(%arg5 : memref<128x128xf32, #tpu.memory_space<hbm>>) target(%arg13 : memref<128x128xf32, #tpu.memory_space<vmem>>) target_semaphore(%run_scoped3A : memref<!tpu.dma_semaphore, #tpu.memory_space<semaphore_mem>>)
      tpu.wait_dma2 semaphore(%run_scoped3A : memref<!tpu.dma_semaphore, #tpu.memory_space<semaphore_mem>>) src(%arg5 : memref<128x128xf32, #tpu.memory_space<hbm>>) dst(%arg13 : memref<128x128xf32, #tpu.memory_space<vmem>>)
      tpu.yield
    }) : () -> ()
    %scan3A = arith.constant 0 : i32
    %scan3A_3 = arith.constant 0 : i32
    %scan3A_4 = arith.constant 8 : i32
    %scan3A_5 = arith.addi %scan3A_3, %scan3A_4 : i32
    %scan3A_6 = arith.constant 1 : i32
    scf.for %scan3A_8 = %scan3A_3 to %scan3A_5 step %scan3A_6  : i32 {
      %add3A = arith.constant 0 : i32
      %add3A_9 = arith.addi %mul3A_2, %add3A : i32
      "tpu.region"() ({
        %run_scoped3A = tpu.sem_alloc : memref<!tpu.dma_semaphore, #tpu.memory_space<semaphore_mem>>
        %dma_start3A_79 = arith.constant 0 : i32
        %dma_start3A_80 = tpu.memref_slice %arg14[%add3A_9, %dma_start3A_79] : memref<10240x128xf32, #tpu.memory_space<vmem_shared>> -> memref<128x128xf32, #tpu.memory_space<vmem_shared>>
        %dma_start3A_81 = arith.constant 0 : i32
        %dma_start3A_82 = tpu.memref_slice %arg14[%add3A_9, %dma_start3A_81] : memref<10240x128xf32, #tpu.memory_space<vmem_shared>> -> memref<128x128xf32, #tpu.memory_space<vmem_shared>>
        tpu.enqueue_dma source(%arg13 : memref<128x128xf32, #tpu.memory_space<vmem>>) target(%dma_start3A_82 : memref<128x128xf32, #tpu.memory_space<vmem_shared>>) target_semaphore(%run_scoped3A : memref<!tpu.dma_semaphore, #tpu.memory_space<semaphore_mem>>)
        %dma_wait3A_83 = arith.constant 0 : i32
        %dma_wait3A_84 = tpu.memref_slice %arg14[%add3A_9, %dma_wait3A_83] : memref<10240x128xf32, #tpu.memory_space<vmem_shared>> -> memref<128x128xf32, #tpu.memory_space<vmem_shared>>
        %dma_wait3A_85 = arith.constant 0 : i32
        %dma_wait3A_86 = tpu.memref_slice %arg14[%add3A_9, %dma_wait3A_85] : memref<10240x128xf32, #tpu.memory_space<vmem_shared>> -> memref<128x128xf32, #tpu.memory_space<vmem_shared>>
        tpu.wait_dma2 semaphore(%run_scoped3A : memref<!tpu.dma_semaphore, #tpu.memory_space<semaphore_mem>>) src(%arg13 : memref<128x128xf32, #tpu.memory_space<vmem>>) dst(%dma_wait3A_86 : memref<128x128xf32, #tpu.memory_space<vmem_shared>>)
        tpu.yield
      }) : () -> ()
      %add3A_10 = arith.constant 128 : i32
      %add3A_11 = arith.addi %mul3A_2, %add3A_10 : i32
      "tpu.region"() ({
        %run_scoped3A = tpu.sem_alloc : memref<!tpu.dma_semaphore, #tpu.memory_space<semaphore_mem>>
        %dma_start3A_79 = arith.constant 0 : i32
        %dma_start3A_80 = tpu.memref_slice %arg14[%add3A_11, %dma_start3A_79] : memref<10240x128xf32, #tpu.memory_space<vmem_shared>> -> memref<128x128xf32, #tpu.memory_space<vmem_shared>>
        %dma_start3A_81 = arith.constant 0 : i32
        %dma_start3A_82 = tpu.memref_slice %arg14[%add3A_11, %dma_start3A_81] : memref<10240x128xf32, #tpu.memory_space<vmem_shared>> -> memref<128x128xf32, #tpu.memory_space<vmem_shared>>
        tpu.enqueue_dma source(%arg13 : memref<128x128xf32, #tpu.memory_space<vmem>>) target(%dma_start3A_82 : memref<128x128xf32, #tpu.memory_space<vmem_shared>>) target_semaphore(%run_scoped3A : memref<!tpu.dma_semaphore, #tpu.memory_space<semaphore_mem>>)
        %dma_wait3A_83 = arith.constant 0 : i32
        %dma_wait3A_84 = tpu.memref_slice %arg14[%add3A_11, %dma_wait3A_83] : memref<10240x128xf32, #tpu.memory_space<vmem_shared>> -> memref<128x128xf32, #tpu.memory_space<vmem_shared>>
        %dma_wait3A_85 = arith.constant 0 : i32
        %dma_wait3A_86 = tpu.memref_slice %arg14[%add3A_11, %dma_wait3A_85] : memref<10240x128xf32, #tpu.memory_space<vmem_shared>> -> memref<128x128xf32, #tpu.memory_space<vmem_shared>>
        tpu.wait_dma2 semaphore(%run_scoped3A : memref<!tpu.dma_semaphore, #tpu.memory_space<semaphore_mem>>) src(%arg13 : memref<128x128xf32, #tpu.memory_space<vmem>>) dst(%dma_wait3A_86 : memref<128x128xf32, #tpu.memory_space<vmem_shared>>)
        tpu.yield
      }) : () -> ()
      %add3A_12 = arith.constant 256 : i32
      %add3A_13 = arith.addi %mul3A_2, %add3A_12 : i32
      "tpu.region"() ({
        %run_scoped3A = tpu.sem_alloc : memref<!tpu.dma_semaphore, #tpu.memory_space<semaphore_mem>>
        %dma_start3A_79 = arith.constant 0 : i32
        %dma_start3A_80 = tpu.memref_slice %arg14[%add3A_13, %dma_start3A_79] : memref<10240x128xf32, #tpu.memory_space<vmem_shared>> -> memref<128x128xf32, #tpu.memory_space<vmem_shared>>
        %dma_start3A_81 = arith.constant 0 : i32
        %dma_start3A_82 = tpu.memref_slice %arg14[%add3A_13, %dma_start3A_81] : memref<10240x128xf32, #tpu.memory_space<vmem_shared>> -> memref<128x128xf32, #tpu.memory_space<vmem_shared>>
        tpu.enqueue_dma source(%arg13 : memref<128x128xf32, #tpu.memory_space<vmem>>) target(%dma_start3A_82 : memref<128x128xf32, #tpu.memory_space<vmem_shared>>) target_semaphore(%run_scoped3A : memref<!tpu.dma_semaphore, #tpu.memory_space<semaphore_mem>>)
        %dma_wait3A_83 = arith.constant 0 : i32
        %dma_wait3A_84 = tpu.memref_slice %arg14[%add3A_13, %dma_wait3A_83] : memref<10240x128xf32, #tpu.memory_space<vmem_shared>> -> memref<128x128xf32, #tpu.memory_space<vmem_shared>>
        %dma_wait3A_85 = arith.constant 0 : i32
        %dma_wait3A_86 = tpu.memref_slice %arg14[%add3A_13, %dma_wait3A_85] : memref<10240x128xf32, #tpu.memory_space<vmem_shared>> -> memref<128x128xf32, #tpu.memory_space<vmem_shared>>
        tpu.wait_dma2 semaphore(%run_scoped3A : memref<!tpu.dma_semaphore, #tpu.memory_space<semaphore_mem>>) src(%arg13 : memref<128x128xf32, #tpu.memory_space<vmem>>) dst(%dma_wait3A_86 : memref<128x128xf32, #tpu.memory_space<vmem_shared>>)
        tpu.yield
      }) : () -> ()
      %add3A_14 = arith.constant 384 : i32
      %add3A_15 = arith.addi %mul3A_2, %add3A_14 : i32
      "tpu.region"() ({
        %run_scoped3A = tpu.sem_alloc : memref<!tpu.dma_semaphore, #tpu.memory_space<semaphore_mem>>
        %dma_start3A_79 = arith.constant 0 : i32
        %dma_start3A_80 = tpu.memref_slice %arg14[%add3A_15, %dma_start3A_79] : memref<10240x128xf32, #tpu.memory_space<vmem_shared>> -> memref<128x128xf32, #tpu.memory_space<vmem_shared>>
        %dma_start3A_81 = arith.constant 0 : i32
        %dma_start3A_82 = tpu.memref_slice %arg14[%add3A_15, %dma_start3A_81] : memref<10240x128xf32, #tpu.memory_space<vmem_shared>> -> memref<128x128xf32, #tpu.memory_space<vmem_shared>>
        tpu.enqueue_dma source(%arg13 : memref<128x128xf32, #tpu.memory_space<vmem>>) target(%dma_start3A_82 : memref<128x128xf32, #tpu.memory_space<vmem_shared>>) target_semaphore(%run_scoped3A : memref<!tpu.dma_semaphore, #tpu.memory_space<semaphore_mem>>)
        %dma_wait3A_83 = arith.constant 0 : i32
        %dma_wait3A_84 = tpu.memref_slice %arg14[%add3A_15, %dma_wait3A_83] : memref<10240x128xf32, #tpu.memory_space<vmem_shared>> -> memref<128x128xf32, #tpu.memory_space<vmem_shared>>
        %dma_wait3A_85 = arith.constant 0 : i32
        %dma_wait3A_86 = tpu.memref_slice %arg14[%add3A_15, %dma_wait3A_85] : memref<10240x128xf32, #tpu.memory_space<vmem_shared>> -> memref<128x128xf32, #tpu.memory_space<vmem_shared>>
        tpu.wait_dma2 semaphore(%run_scoped3A : memref<!tpu.dma_semaphore, #tpu.memory_space<semaphore_mem>>) src(%arg13 : memref<128x128xf32, #tpu.memory_space<vmem>>) dst(%dma_wait3A_86 : memref<128x128xf32, #tpu.memory_space<vmem_shared>>)
        tpu.yield
      }) : () -> ()
      %add3A_16 = arith.constant 512 : i32
      %add3A_17 = arith.addi %mul3A_2, %add3A_16 : i32
      "tpu.region"() ({
        %run_scoped3A = tpu.sem_alloc : memref<!tpu.dma_semaphore, #tpu.memory_space<semaphore_mem>>
        %dma_start3A_79 = arith.constant 0 : i32
        %dma_start3A_80 = tpu.memref_slice %arg14[%add3A_17, %dma_start3A_79] : memref<10240x128xf32, #tpu.memory_space<vmem_shared>> -> memref<128x128xf32, #tpu.memory_space<vmem_shared>>
        %dma_start3A_81 = arith.constant 0 : i32
        %dma_start3A_82 = tpu.memref_slice %arg14[%add3A_17, %dma_start3A_81] : memref<10240x128xf32, #tpu.memory_space<vmem_shared>> -> memref<128x128xf32, #tpu.memory_space<vmem_shared>>
        tpu.enqueue_dma source(%arg13 : memref<128x128xf32, #tpu.memory_space<vmem>>) target(%dma_start3A_82 : memref<128x128xf32, #tpu.memory_space<vmem_shared>>) target_semaphore(%run_scoped3A : memref<!tpu.dma_semaphore, #tpu.memory_space<semaphore_mem>>)
        %dma_wait3A_83 = arith.constant 0 : i32
        %dma_wait3A_84 = tpu.memref_slice %arg14[%add3A_17, %dma_wait3A_83] : memref<10240x128xf32, #tpu.memory_space<vmem_shared>> -> memref<128x128xf32, #tpu.memory_space<vmem_shared>>
        %dma_wait3A_85 = arith.constant 0 : i32
        %dma_wait3A_86 = tpu.memref_slice %arg14[%add3A_17, %dma_wait3A_85] : memref<10240x128xf32, #tpu.memory_space<vmem_shared>> -> memref<128x128xf32, #tpu.memory_space<vmem_shared>>
        tpu.wait_dma2 semaphore(%run_scoped3A : memref<!tpu.dma_semaphore, #tpu.memory_space<semaphore_mem>>) src(%arg13 : memref<128x128xf32, #tpu.memory_space<vmem>>) dst(%dma_wait3A_86 : memref<128x128xf32, #tpu.memory_space<vmem_shared>>)
        tpu.yield
      }) : () -> ()
      %barrier3A = arith.constant 0 : index
      tpu.barrier barrier_id(%barrier3A)
      %mul3A_18 = arith.constant 2 : i32
      %mul3A_19 = arith.muli %scan3A_8, %mul3A_18 : i32
      %add3A_20 = arith.addi %mul3A_19, %arg0 : i32
      %mul3A_21 = arith.constant 10240 : i32
      %mul3A_22 = arith.muli %add3A_20, %mul3A_21 : i32
      %broadcast_in_dim3A = arith.constant 0 : i32
      %broadcast_in_dim3A_23 = vector.broadcast %broadcast_in_dim3A : i32 to vector<16xi32>
      %add3A_24 = vector.broadcast %mul3A_22 : i32 to vector<16xi32>
      %add3A_25 = arith.addi %broadcast_in_dim3A_23, %add3A_24 : vector<16xi32>
      %add3A_26 = arith.constant 0 : i32
      %add3A_27 = arith.addi %mul3A_0, %add3A_26 : i32
      "tpu.region"() ({
        %run_scoped3A = tpu.sem_alloc : memref<!tpu.dma_semaphore, #tpu.memory_space<semaphore_mem>>
        %dma_start3A_79 = tpu.memref_slice %arg3[%add3A_27] : memref<160000xi32, #tpu.memory_space<hbm>> -> memref<80xi32, #tpu.memory_space<hbm>>
        %dma_start3A_80 = tpu.memref_slice %arg3[%add3A_27] : memref<160000xi32, #tpu.memory_space<hbm>> -> memref<80xi32, #tpu.memory_space<hbm>>
        tpu.enqueue_dma source(%dma_start3A_80 : memref<80xi32, #tpu.memory_space<hbm>>) target(%arg7 : memref<80xi32, #tpu.memory_space<vmem>>) target_semaphore(%run_scoped3A : memref<!tpu.dma_semaphore, #tpu.memory_space<semaphore_mem>>)
        %dma_wait3A_81 = tpu.memref_slice %arg3[%add3A_27] : memref<160000xi32, #tpu.memory_space<hbm>> -> memref<80xi32, #tpu.memory_space<hbm>>
        %dma_wait3A_82 = tpu.memref_slice %arg3[%add3A_27] : memref<160000xi32, #tpu.memory_space<hbm>> -> memref<80xi32, #tpu.memory_space<hbm>>
        tpu.wait_dma2 semaphore(%run_scoped3A : memref<!tpu.dma_semaphore, #tpu.memory_space<semaphore_mem>>) src(%dma_wait3A_82 : memref<80xi32, #tpu.memory_space<hbm>>) dst(%arg7 : memref<80xi32, #tpu.memory_space<vmem>>)
        tpu.yield
      }) : () -> ()
      "tpu.region"() ({
        %run_scoped3A = tpu.sem_alloc : memref<!tpu.dma_semaphore, #tpu.memory_space<semaphore_mem>>
        %dma_start3A_79 = tpu.memref_slice %arg4[%add3A_27] : memref<160000xi32, #tpu.memory_space<hbm>> -> memref<80xi32, #tpu.memory_space<hbm>>
        %dma_start3A_80 = tpu.memref_slice %arg4[%add3A_27] : memref<160000xi32, #tpu.memory_space<hbm>> -> memref<80xi32, #tpu.memory_space<hbm>>
        tpu.enqueue_dma source(%dma_start3A_80 : memref<80xi32, #tpu.memory_space<hbm>>) target(%arg9 : memref<80xi32, #tpu.memory_space<vmem>>) target_semaphore(%run_scoped3A : memref<!tpu.dma_semaphore, #tpu.memory_space<semaphore_mem>>)
        %dma_wait3A_81 = tpu.memref_slice %arg4[%add3A_27] : memref<160000xi32, #tpu.memory_space<hbm>> -> memref<80xi32, #tpu.memory_space<hbm>>
        %dma_wait3A_82 = tpu.memref_slice %arg4[%add3A_27] : memref<160000xi32, #tpu.memory_space<hbm>> -> memref<80xi32, #tpu.memory_space<hbm>>
        tpu.wait_dma2 semaphore(%run_scoped3A : memref<!tpu.dma_semaphore, #tpu.memory_space<semaphore_mem>>) src(%dma_wait3A_82 : memref<80xi32, #tpu.memory_space<hbm>>) dst(%arg9 : memref<80xi32, #tpu.memory_space<vmem>>)
        tpu.yield
      }) : () -> ()
      %get3A = arith.constant 0 : index
      %get3A_28 = tpu.vector_load %arg7[%get3A] {strides = array<i32>} : memref<80xi32, #tpu.memory_space<vmem>>, vector<16xi32>,
      %get3A_29 = vector.shape_cast %get3A_28 : vector<16xi32> to vector<16xi32>
      %add3A_30 = arith.addi %get3A_29, %add3A_25 : vector<16xi32>
      %swap3A = arith.constant 0 : index
      %swap3A_31 = tpu.vector_load %arg7[%swap3A] {strides = array<i32>} : memref<80xi32, #tpu.memory_space<vmem>>, vector<16xi32>,
      %swap3A_32 = vector.shape_cast %swap3A_31 : vector<16xi32> to vector<16xi32>
      %swap3A_33 = vector.shape_cast %add3A_30 : vector<16xi32> to vector<16xi32>
      tpu.vector_store %arg7[%swap3A], %swap3A_33 {strides = array<i32>} : memref<80xi32, #tpu.memory_space<vmem>>, vector<16xi32>,
      %get3A_34 = arith.constant 16 : index
      %get3A_35 = tpu.vector_load %arg7[%get3A_34] {strides = array<i32>} : memref<80xi32, #tpu.memory_space<vmem>>, vector<16xi32>,
      %get3A_36 = vector.shape_cast %get3A_35 : vector<16xi32> to vector<16xi32>
      %add3A_37 = arith.addi %get3A_36, %add3A_25 : vector<16xi32>
      %swap3A_38 = arith.constant 16 : index
      %swap3A_39 = tpu.vector_load %arg7[%swap3A_38] {strides = array<i32>} : memref<80xi32, #tpu.memory_space<vmem>>, vector<16xi32>,
      %swap3A_40 = vector.shape_cast %swap3A_39 : vector<16xi32> to vector<16xi32>
      %swap3A_41 = vector.shape_cast %add3A_37 : vector<16xi32> to vector<16xi32>
      tpu.vector_store %arg7[%swap3A_38], %swap3A_41 {strides = array<i32>} : memref<80xi32, #tpu.memory_space<vmem>>, vector<16xi32>,
      %get3A_42 = arith.constant 32 : index
      %get3A_43 = tpu.vector_load %arg7[%get3A_42] {strides = array<i32>} : memref<80xi32, #tpu.memory_space<vmem>>, vector<16xi32>,
      %get3A_44 = vector.shape_cast %get3A_43 : vector<16xi32> to vector<16xi32>
      %add3A_45 = arith.addi %get3A_44, %add3A_25 : vector<16xi32>
      %swap3A_46 = arith.constant 32 : index
      %swap3A_47 = tpu.vector_load %arg7[%swap3A_46] {strides = array<i32>} : memref<80xi32, #tpu.memory_space<vmem>>, vector<16xi32>,
      %swap3A_48 = vector.shape_cast %swap3A_47 : vector<16xi32> to vector<16xi32>
      %swap3A_49 = vector.shape_cast %add3A_45 : vector<16xi32> to vector<16xi32>
      tpu.vector_store %arg7[%swap3A_46], %swap3A_49 {strides = array<i32>} : memref<80xi32, #tpu.memory_space<vmem>>, vector<16xi32>,
      %get3A_50 = arith.constant 48 : index
      %get3A_51 = tpu.vector_load %arg7[%get3A_50] {strides = array<i32>} : memref<80xi32, #tpu.memory_space<vmem>>, vector<16xi32>,
      %get3A_52 = vector.shape_cast %get3A_51 : vector<16xi32> to vector<16xi32>
      %add3A_53 = arith.addi %get3A_52, %add3A_25 : vector<16xi32>
      %swap3A_54 = arith.constant 48 : index
      %swap3A_55 = tpu.vector_load %arg7[%swap3A_54] {strides = array<i32>} : memref<80xi32, #tpu.memory_space<vmem>>, vector<16xi32>,
      %swap3A_56 = vector.shape_cast %swap3A_55 : vector<16xi32> to vector<16xi32>
      %swap3A_57 = vector.shape_cast %add3A_53 : vector<16xi32> to vector<16xi32>
      tpu.vector_store %arg7[%swap3A_54], %swap3A_57 {strides = array<i32>} : memref<80xi32, #tpu.memory_space<vmem>>, vector<16xi32>,
      %get3A_58 = arith.constant 64 : index
      %get3A_59 = tpu.vector_load %arg7[%get3A_58] {strides = array<i32>} : memref<80xi32, #tpu.memory_space<vmem>>, vector<16xi32>,
      %get3A_60 = vector.shape_cast %get3A_59 : vector<16xi32> to vector<16xi32>
      %add3A_61 = arith.addi %get3A_60, %add3A_25 : vector<16xi32>
      %swap3A_62 = arith.constant 64 : index
      %swap3A_63 = tpu.vector_load %arg7[%swap3A_62] {strides = array<i32>} : memref<80xi32, #tpu.memory_space<vmem>>, vector<16xi32>,
      %swap3A_64 = vector.shape_cast %swap3A_63 : vector<16xi32> to vector<16xi32>
      %swap3A_65 = vector.shape_cast %add3A_61 : vector<16xi32> to vector<16xi32>
      tpu.vector_store %arg7[%swap3A_62], %swap3A_65 {strides = array<i32>} : memref<80xi32, #tpu.memory_space<vmem>>, vector<16xi32>,
      %dma_start3A = arith.constant 0 : i32
      %dma_start3A_66 = arith.constant 0 : i32
      %dma_start3A_67 = tpu.memref_slice %arg2[%dma_start3A, %dma_start3A_66] : memref<163840x128xf32, #tpu.memory_space<hbm>> -> memref<163840x128xf32, #tpu.memory_space<hbm>>
      tpu.enqueue_indirect_dma source(%dma_start3A_67 : memref<163840x128xf32, #tpu.memory_space<hbm>>) target(%arg11 : memref<80x128xf32, #tpu.memory_space<vmem>>) offsets(%arg7 : memref<80xi32, #tpu.memory_space<vmem>>) semaphore(%arg15 : memref<!tpu.dma_semaphore, #tpu.memory_space<semaphore_mem>>)
      %scan3A_68 = arith.constant 0 : i32
      %scan3A_69 = arith.constant 0 : i32
      %scan3A_70 = arith.constant 62 : i32
      %scan3A_71 = arith.addi %scan3A_69, %scan3A_70 : i32
      %scan3A_72 = arith.constant 1 : i32
      scf.for %scan3A_79 = %scan3A_69 to %scan3A_71 step %scan3A_72  : i32 {
        %mul3A_80 = arith.constant 2 : i32
        %mul3A_81 = arith.muli %mul3A_80, %scan3A_79 : i32
        %add3A_82 = arith.constant 1 : i32
        %add3A_83 = arith.addi %mul3A_81, %add3A_82 : i32
        %mul3A_84 = arith.constant 80 : i32
        %mul3A_85 = arith.muli %add3A_83, %mul3A_84 : i32
        %add3A_86 = arith.addi %mul3A_0, %mul3A_85 : i32
        "tpu.region"() ({
          %run_scoped3A = tpu.sem_alloc : memref<!tpu.dma_semaphore, #tpu.memory_space<semaphore_mem>>
          %dma_start3A_184 = tpu.memref_slice %arg3[%add3A_86] : memref<160000xi32, #tpu.memory_space<hbm>> -> memref<80xi32, #tpu.memory_space<hbm>>
          %dma_start3A_185 = tpu.memref_slice %arg3[%add3A_86] : memref<160000xi32, #tpu.memory_space<hbm>> -> memref<80xi32, #tpu.memory_space<hbm>>
          tpu.enqueue_dma source(%dma_start3A_185 : memref<80xi32, #tpu.memory_space<hbm>>) target(%arg8 : memref<80xi32, #tpu.memory_space<vmem>>) target_semaphore(%run_scoped3A : memref<!tpu.dma_semaphore, #tpu.memory_space<semaphore_mem>>)
          %dma_wait3A_186 = tpu.memref_slice %arg3[%add3A_86] : memref<160000xi32, #tpu.memory_space<hbm>> -> memref<80xi32, #tpu.memory_space<hbm>>
          %dma_wait3A_187 = tpu.memref_slice %arg3[%add3A_86] : memref<160000xi32, #tpu.memory_space<hbm>> -> memref<80xi32, #tpu.memory_space<hbm>>
          tpu.wait_dma2 semaphore(%run_scoped3A : memref<!tpu.dma_semaphore, #tpu.memory_space<semaphore_mem>>) src(%dma_wait3A_187 : memref<80xi32, #tpu.memory_space<hbm>>) dst(%arg8 : memref<80xi32, #tpu.memory_space<vmem>>)
          tpu.yield
        }) : () -> ()
        "tpu.region"() ({
          %run_scoped3A = tpu.sem_alloc : memref<!tpu.dma_semaphore, #tpu.memory_space<semaphore_mem>>
          %dma_start3A_184 = tpu.memref_slice %arg4[%add3A_86] : memref<160000xi32, #tpu.memory_space<hbm>> -> memref<80xi32, #tpu.memory_space<hbm>>
          %dma_start3A_185 = tpu.memref_slice %arg4[%add3A_86] : memref<160000xi32, #tpu.memory_space<hbm>> -> memref<80xi32, #tpu.memory_space<hbm>>
          tpu.enqueue_dma source(%dma_start3A_185 : memref<80xi32, #tpu.memory_space<hbm>>) target(%arg10 : memref<80xi32, #tpu.memory_space<vmem>>) target_semaphore(%run_scoped3A : memref<!tpu.dma_semaphore, #tpu.memory_space<semaphore_mem>>)
          %dma_wait3A_186 = tpu.memref_slice %arg4[%add3A_86] : memref<160000xi32, #tpu.memory_space<hbm>> -> memref<80xi32, #tpu.memory_space<hbm>>
          %dma_wait3A_187 = tpu.memref_slice %arg4[%add3A_86] : memref<160000xi32, #tpu.memory_space<hbm>> -> memref<80xi32, #tpu.memory_space<hbm>>
          tpu.wait_dma2 semaphore(%run_scoped3A : memref<!tpu.dma_semaphore, #tpu.memory_space<semaphore_mem>>) src(%dma_wait3A_187 : memref<80xi32, #tpu.memory_space<hbm>>) dst(%arg10 : memref<80xi32, #tpu.memory_space<vmem>>)
          tpu.yield
        }) : () -> ()
        %get3A_87 = arith.constant 0 : index
        %get3A_88 = tpu.vector_load %arg8[%get3A_87] {strides = array<i32>} : memref<80xi32, #tpu.memory_space<vmem>>, vector<16xi32>,
        %get3A_89 = vector.shape_cast %get3A_88 : vector<16xi32> to vector<16xi32>
        %add3A_90 = arith.addi %get3A_89, %add3A_25 : vector<16xi32>
        %swap3A_91 = arith.constant 0 : index
        %swap3A_92 = tpu.vector_load %arg8[%swap3A_91] {strides = array<i32>} : memref<80xi32, #tpu.memory_space<vmem>>, vector<16xi32>,
        %swap3A_93 = vector.shape_cast %swap3A_92 : vector<16xi32> to vector<16xi32>
        %swap3A_94 = vector.shape_cast %add3A_90 : vector<16xi32> to vector<16xi32>
        tpu.vector_store %arg8[%swap3A_91], %swap3A_94 {strides = array<i32>} : memref<80xi32, #tpu.memory_space<vmem>>, vector<16xi32>,
        %get3A_95 = arith.constant 16 : index
        %get3A_96 = tpu.vector_load %arg8[%get3A_95] {strides = array<i32>} : memref<80xi32, #tpu.memory_space<vmem>>, vector<16xi32>,
        %get3A_97 = vector.shape_cast %get3A_96 : vector<16xi32> to vector<16xi32>
        %add3A_98 = arith.addi %get3A_97, %add3A_25 : vector<16xi32>
        %swap3A_99 = arith.constant 16 : index
        %swap3A_100 = tpu.vector_load %arg8[%swap3A_99] {strides = array<i32>} : memref<80xi32, #tpu.memory_space<vmem>>, vector<16xi32>,
        %swap3A_101 = vector.shape_cast %swap3A_100 : vector<16xi32> to vector<16xi32>
        %swap3A_102 = vector.shape_cast %add3A_98 : vector<16xi32> to vector<16xi32>
        tpu.vector_store %arg8[%swap3A_99], %swap3A_102 {strides = array<i32>} : memref<80xi32, #tpu.memory_space<vmem>>, vector<16xi32>,
        %get3A_103 = arith.constant 32 : index
        %get3A_104 = tpu.vector_load %arg8[%get3A_103] {strides = array<i32>} : memref<80xi32, #tpu.memory_space<vmem>>, vector<16xi32>,
        %get3A_105 = vector.shape_cast %get3A_104 : vector<16xi32> to vector<16xi32>
        %add3A_106 = arith.addi %get3A_105, %add3A_25 : vector<16xi32>
        %swap3A_107 = arith.constant 32 : index
        %swap3A_108 = tpu.vector_load %arg8[%swap3A_107] {strides = array<i32>} : memref<80xi32, #tpu.memory_space<vmem>>, vector<16xi32>,
        %swap3A_109 = vector.shape_cast %swap3A_108 : vector<16xi32> to vector<16xi32>
        %swap3A_110 = vector.shape_cast %add3A_106 : vector<16xi32> to vector<16xi32>
        tpu.vector_store %arg8[%swap3A_107], %swap3A_110 {strides = array<i32>} : memref<80xi32, #tpu.memory_space<vmem>>, vector<16xi32>,
        %get3A_111 = arith.constant 48 : index
        %get3A_112 = tpu.vector_load %arg8[%get3A_111] {strides = array<i32>} : memref<80xi32, #tpu.memory_space<vmem>>, vector<16xi32>,
        %get3A_113 = vector.shape_cast %get3A_112 : vector<16xi32> to vector<16xi32>
        %add3A_114 = arith.addi %get3A_113, %add3A_25 : vector<16xi32>
        %swap3A_115 = arith.constant 48 : index
        %swap3A_116 = tpu.vector_load %arg8[%swap3A_115] {strides = array<i32>} : memref<80xi32, #tpu.memory_space<vmem>>, vector<16xi32>,
        %swap3A_117 = vector.shape_cast %swap3A_116 : vector<16xi32> to vector<16xi32>
        %swap3A_118 = vector.shape_cast %add3A_114 : vector<16xi32> to vector<16xi32>
        tpu.vector_store %arg8[%swap3A_115], %swap3A_118 {strides = array<i32>} : memref<80xi32, #tpu.memory_space<vmem>>, vector<16xi32>,
        %get3A_119 = arith.constant 64 : index
        %get3A_120 = tpu.vector_load %arg8[%get3A_119] {strides = array<i32>} : memref<80xi32, #tpu.memory_space<vmem>>, vector<16xi32>,
        %get3A_121 = vector.shape_cast %get3A_120 : vector<16xi32> to vector<16xi32>
        %add3A_122 = arith.addi %get3A_121, %add3A_25 : vector<16xi32>
        %swap3A_123 = arith.constant 64 : index
        %swap3A_124 = tpu.vector_load %arg8[%swap3A_123] {strides = array<i32>} : memref<80xi32, #tpu.memory_space<vmem>>, vector<16xi32>,
        %swap3A_125 = vector.shape_cast %swap3A_124 : vector<16xi32> to vector<16xi32>
        %swap3A_126 = vector.shape_cast %add3A_122 : vector<16xi32> to vector<16xi32>
        tpu.vector_store %arg8[%swap3A_123], %swap3A_126 {strides = array<i32>} : memref<80xi32, #tpu.memory_space<vmem>>, vector<16xi32>,
        %dma_start3A_127 = arith.constant 0 : i32
        %dma_start3A_128 = arith.constant 0 : i32
        %dma_start3A_129 = tpu.memref_slice %arg2[%dma_start3A_127, %dma_start3A_128] : memref<163840x128xf32, #tpu.memory_space<hbm>> -> memref<163840x128xf32, #tpu.memory_space<hbm>>
        tpu.enqueue_indirect_dma source(%dma_start3A_129 : memref<163840x128xf32, #tpu.memory_space<hbm>>) target(%arg12 : memref<80x128xf32, #tpu.memory_space<vmem>>) offsets(%arg8 : memref<80xi32, #tpu.memory_space<vmem>>) semaphore(%arg16 : memref<!tpu.dma_semaphore, #tpu.memory_space<semaphore_mem>>)
        %dma_wait3A_130 = arith.constant 0 : i32
        %dma_wait3A_131 = arith.constant 0 : i32
        %dma_wait3A_132 = tpu.memref_slice %arg2[%dma_wait3A_130, %dma_wait3A_131] : memref<163840x128xf32, #tpu.memory_space<hbm>> -> memref<163840x128xf32, #tpu.memory_space<hbm>>
        tpu.wait_indirect_dma semaphore(%arg15 : memref<!tpu.dma_semaphore, #tpu.memory_space<semaphore_mem>>) src(%dma_wait3A_132 : memref<163840x128xf32, #tpu.memory_space<hbm>>) dst(%arg11 : memref<80x128xf32, #tpu.memory_space<vmem>>)
        "tpu.region"() ({
          %run_scoped3A = tpu.sem_alloc : memref<!tpu.dma_semaphore, #tpu.memory_space<semaphore_mem>>
          %dma_start3A_184 = arith.constant 0 : i32
          %dma_start3A_185 = arith.constant 0 : i32
          %dma_start3A_186 = tpu.memref_slice %arg14[%dma_start3A_184, %dma_start3A_185] : memref<10240x128xf32, #tpu.memory_space<vmem_shared>> -> memref<10240x128xf32, #tpu.memory_space<vmem_shared>>
          tpu.enqueue_indirect_dma source(%arg11 : memref<80x128xf32, #tpu.memory_space<vmem>>) target(%dma_start3A_186 : memref<10240x128xf32, #tpu.memory_space<vmem_shared>>) offsets(%arg9 : memref<80xi32, #tpu.memory_space<vmem>>) semaphore(%run_scoped3A : memref<!tpu.dma_semaphore, #tpu.memory_space<semaphore_mem>>) {add = true}
          %dma_wait3A_187 = arith.constant 0 : i32
          %dma_wait3A_188 = arith.constant 0 : i32
          %dma_wait3A_189 = tpu.memref_slice %arg14[%dma_wait3A_187, %dma_wait3A_188] : memref<10240x128xf32, #tpu.memory_space<vmem_shared>> -> memref<10240x128xf32, #tpu.memory_space<vmem_shared>>
          tpu.wait_indirect_dma semaphore(%run_scoped3A : memref<!tpu.dma_semaphore, #tpu.memory_space<semaphore_mem>>) src(%arg11 : memref<80x128xf32, #tpu.memory_space<vmem>>) dst(%dma_wait3A_189 : memref<10240x128xf32, #tpu.memory_space<vmem_shared>>)
          tpu.yield
        }) : () -> ()
        %add3A_133 = arith.constant 2 : i32
        %add3A_134 = arith.addi %mul3A_81, %add3A_133 : i32
        %mul3A_135 = arith.constant 80 : i32
        %mul3A_136 = arith.muli %add3A_134, %mul3A_135 : i32
        %add3A_137 = arith.addi %mul3A_0, %mul3A_136 : i32
        "tpu.region"() ({
          %run_scoped3A = tpu.sem_alloc : memref<!tpu.dma_semaphore, #tpu.memory_space<semaphore_mem>>
          %dma_start3A_184 = tpu.memref_slice %arg3[%add3A_137] : memref<160000xi32, #tpu.memory_space<hbm>> -> memref<80xi32, #tpu.memory_space<hbm>>
          %dma_start3A_185 = tpu.memref_slice %arg3[%add3A_137] : memref<160000xi32, #tpu.memory_space<hbm>> -> memref<80xi32, #tpu.memory_space<hbm>>
          tpu.enqueue_dma source(%dma_start3A_185 : memref<80xi32, #tpu.memory_space<hbm>>) target(%arg7 : memref<80xi32, #tpu.memory_space<vmem>>) target_semaphore(%run_scoped3A : memref<!tpu.dma_semaphore, #tpu.memory_space<semaphore_mem>>)
          %dma_wait3A_186 = tpu.memref_slice %arg3[%add3A_137] : memref<160000xi32, #tpu.memory_space<hbm>> -> memref<80xi32, #tpu.memory_space<hbm>>
          %dma_wait3A_187 = tpu.memref_slice %arg3[%add3A_137] : memref<160000xi32, #tpu.memory_space<hbm>> -> memref<80xi32, #tpu.memory_space<hbm>>
          tpu.wait_dma2 semaphore(%run_scoped3A : memref<!tpu.dma_semaphore, #tpu.memory_space<semaphore_mem>>) src(%dma_wait3A_187 : memref<80xi32, #tpu.memory_space<hbm>>) dst(%arg7 : memref<80xi32, #tpu.memory_space<vmem>>)
          tpu.yield
        }) : () -> ()
        "tpu.region"() ({
          %run_scoped3A = tpu.sem_alloc : memref<!tpu.dma_semaphore, #tpu.memory_space<semaphore_mem>>
          %dma_start3A_184 = tpu.memref_slice %arg4[%add3A_137] : memref<160000xi32, #tpu.memory_space<hbm>> -> memref<80xi32, #tpu.memory_space<hbm>>
          %dma_start3A_185 = tpu.memref_slice %arg4[%add3A_137] : memref<160000xi32, #tpu.memory_space<hbm>> -> memref<80xi32, #tpu.memory_space<hbm>>
          tpu.enqueue_dma source(%dma_start3A_185 : memref<80xi32, #tpu.memory_space<hbm>>) target(%arg9 : memref<80xi32, #tpu.memory_space<vmem>>) target_semaphore(%run_scoped3A : memref<!tpu.dma_semaphore, #tpu.memory_space<semaphore_mem>>)
          %dma_wait3A_186 = tpu.memref_slice %arg4[%add3A_137] : memref<160000xi32, #tpu.memory_space<hbm>> -> memref<80xi32, #tpu.memory_space<hbm>>
          %dma_wait3A_187 = tpu.memref_slice %arg4[%add3A_137] : memref<160000xi32, #tpu.memory_space<hbm>> -> memref<80xi32, #tpu.memory_space<hbm>>
          tpu.wait_dma2 semaphore(%run_scoped3A : memref<!tpu.dma_semaphore, #tpu.memory_space<semaphore_mem>>) src(%dma_wait3A_187 : memref<80xi32, #tpu.memory_space<hbm>>) dst(%arg9 : memref<80xi32, #tpu.memory_space<vmem>>)
          tpu.yield
        }) : () -> ()
        %get3A_138 = arith.constant 0 : index
        %get3A_139 = tpu.vector_load %arg7[%get3A_138] {strides = array<i32>} : memref<80xi32, #tpu.memory_space<vmem>>, vector<16xi32>,
        %get3A_140 = vector.shape_cast %get3A_139 : vector<16xi32> to vector<16xi32>
        %add3A_141 = arith.addi %get3A_140, %add3A_25 : vector<16xi32>
        %swap3A_142 = arith.constant 0 : index
        %swap3A_143 = tpu.vector_load %arg7[%swap3A_142] {strides = array<i32>} : memref<80xi32, #tpu.memory_space<vmem>>, vector<16xi32>,
        %swap3A_144 = vector.shape_cast %swap3A_143 : vector<16xi32> to vector<16xi32>
        %swap3A_145 = vector.shape_cast %add3A_141 : vector<16xi32> to vector<16xi32>
        tpu.vector_store %arg7[%swap3A_142], %swap3A_145 {strides = array<i32>} : memref<80xi32, #tpu.memory_space<vmem>>, vector<16xi32>,
        %get3A_146 = arith.constant 16 : index
        %get3A_147 = tpu.vector_load %arg7[%get3A_146] {strides = array<i32>} : memref<80xi32, #tpu.memory_space<vmem>>, vector<16xi32>,
        %get3A_148 = vector.shape_cast %get3A_147 : vector<16xi32> to vector<16xi32>
        %add3A_149 = arith.addi %get3A_148, %add3A_25 : vector<16xi32>
        %swap3A_150 = arith.constant 16 : index
        %swap3A_151 = tpu.vector_load %arg7[%swap3A_150] {strides = array<i32>} : memref<80xi32, #tpu.memory_space<vmem>>, vector<16xi32>,
        %swap3A_152 = vector.shape_cast %swap3A_151 : vector<16xi32> to vector<16xi32>
        %swap3A_153 = vector.shape_cast %add3A_149 : vector<16xi32> to vector<16xi32>
        tpu.vector_store %arg7[%swap3A_150], %swap3A_153 {strides = array<i32>} : memref<80xi32, #tpu.memory_space<vmem>>, vector<16xi32>,
        %get3A_154 = arith.constant 32 : index
        %get3A_155 = tpu.vector_load %arg7[%get3A_154] {strides = array<i32>} : memref<80xi32, #tpu.memory_space<vmem>>, vector<16xi32>,
        %get3A_156 = vector.shape_cast %get3A_155 : vector<16xi32> to vector<16xi32>
        %add3A_157 = arith.addi %get3A_156, %add3A_25 : vector<16xi32>
        %swap3A_158 = arith.constant 32 : index
        %swap3A_159 = tpu.vector_load %arg7[%swap3A_158] {strides = array<i32>} : memref<80xi32, #tpu.memory_space<vmem>>, vector<16xi32>,
        %swap3A_160 = vector.shape_cast %swap3A_159 : vector<16xi32> to vector<16xi32>
        %swap3A_161 = vector.shape_cast %add3A_157 : vector<16xi32> to vector<16xi32>
        tpu.vector_store %arg7[%swap3A_158], %swap3A_161 {strides = array<i32>} : memref<80xi32, #tpu.memory_space<vmem>>, vector<16xi32>,
        %get3A_162 = arith.constant 48 : index
        %get3A_163 = tpu.vector_load %arg7[%get3A_162] {strides = array<i32>} : memref<80xi32, #tpu.memory_space<vmem>>, vector<16xi32>,
        %get3A_164 = vector.shape_cast %get3A_163 : vector<16xi32> to vector<16xi32>
        %add3A_165 = arith.addi %get3A_164, %add3A_25 : vector<16xi32>
        %swap3A_166 = arith.constant 48 : index
        %swap3A_167 = tpu.vector_load %arg7[%swap3A_166] {strides = array<i32>} : memref<80xi32, #tpu.memory_space<vmem>>, vector<16xi32>,
        %swap3A_168 = vector.shape_cast %swap3A_167 : vector<16xi32> to vector<16xi32>
        %swap3A_169 = vector.shape_cast %add3A_165 : vector<16xi32> to vector<16xi32>
        tpu.vector_store %arg7[%swap3A_166], %swap3A_169 {strides = array<i32>} : memref<80xi32, #tpu.memory_space<vmem>>, vector<16xi32>,
        %get3A_170 = arith.constant 64 : index
        %get3A_171 = tpu.vector_load %arg7[%get3A_170] {strides = array<i32>} : memref<80xi32, #tpu.memory_space<vmem>>, vector<16xi32>,
        %get3A_172 = vector.shape_cast %get3A_171 : vector<16xi32> to vector<16xi32>
        %add3A_173 = arith.addi %get3A_172, %add3A_25 : vector<16xi32>
        %swap3A_174 = arith.constant 64 : index
        %swap3A_175 = tpu.vector_load %arg7[%swap3A_174] {strides = array<i32>} : memref<80xi32, #tpu.memory_space<vmem>>, vector<16xi32>,
        %swap3A_176 = vector.shape_cast %swap3A_175 : vector<16xi32> to vector<16xi32>
        %swap3A_177 = vector.shape_cast %add3A_173 : vector<16xi32> to vector<16xi32>
        tpu.vector_store %arg7[%swap3A_174], %swap3A_177 {strides = array<i32>} : memref<80xi32, #tpu.memory_space<vmem>>, vector<16xi32>,
        %dma_start3A_178 = arith.constant 0 : i32
        %dma_start3A_179 = arith.constant 0 : i32
        %dma_start3A_180 = tpu.memref_slice %arg2[%dma_start3A_178, %dma_start3A_179] : memref<163840x128xf32, #tpu.memory_space<hbm>> -> memref<163840x128xf32, #tpu.memory_space<hbm>>
        tpu.enqueue_indirect_dma source(%dma_start3A_180 : memref<163840x128xf32, #tpu.memory_space<hbm>>) target(%arg11 : memref<80x128xf32, #tpu.memory_space<vmem>>) offsets(%arg7 : memref<80xi32, #tpu.memory_space<vmem>>) semaphore(%arg15 : memref<!tpu.dma_semaphore, #tpu.memory_space<semaphore_mem>>)
        %dma_wait3A_181 = arith.constant 0 : i32
        %dma_wait3A_182 = arith.constant 0 : i32
        %dma_wait3A_183 = tpu.memref_slice %arg2[%dma_wait3A_181, %dma_wait3A_182] : memref<163840x128xf32, #tpu.memory_space<hbm>> -> memref<163840x128xf32, #tpu.memory_space<hbm>>
        tpu.wait_indirect_dma semaphore(%arg16 : memref<!tpu.dma_semaphore, #tpu.memory_space<semaphore_mem>>) src(%dma_wait3A_183 : memref<163840x128xf32, #tpu.memory_space<hbm>>) dst(%arg12 : memref<80x128xf32, #tpu.memory_space<vmem>>)
        "tpu.region"() ({
          %run_scoped3A = tpu.sem_alloc : memref<!tpu.dma_semaphore, #tpu.memory_space<semaphore_mem>>
          %dma_start3A_184 = arith.constant 0 : i32
          %dma_start3A_185 = arith.constant 0 : i32
          %dma_start3A_186 = tpu.memref_slice %arg14[%dma_start3A_184, %dma_start3A_185] : memref<10240x128xf32, #tpu.memory_space<vmem_shared>> -> memref<10240x128xf32, #tpu.memory_space<vmem_shared>>
          tpu.enqueue_indirect_dma source(%arg12 : memref<80x128xf32, #tpu.memory_space<vmem>>) target(%dma_start3A_186 : memref<10240x128xf32, #tpu.memory_space<vmem_shared>>) offsets(%arg10 : memref<80xi32, #tpu.memory_space<vmem>>) semaphore(%run_scoped3A : memref<!tpu.dma_semaphore, #tpu.memory_space<semaphore_mem>>) {add = true}
          %dma_wait3A_187 = arith.constant 0 : i32
          %dma_wait3A_188 = arith.constant 0 : i32
          %dma_wait3A_189 = tpu.memref_slice %arg14[%dma_wait3A_187, %dma_wait3A_188] : memref<10240x128xf32, #tpu.memory_space<vmem_shared>> -> memref<10240x128xf32, #tpu.memory_space<vmem_shared>>
          tpu.wait_indirect_dma semaphore(%run_scoped3A : memref<!tpu.dma_semaphore, #tpu.memory_space<semaphore_mem>>) src(%arg12 : memref<80x128xf32, #tpu.memory_space<vmem>>) dst(%dma_wait3A_189 : memref<10240x128xf32, #tpu.memory_space<vmem_shared>>)
          tpu.yield
        }) : () -> ()
      }
      %scan3A_73 = arith.constant 62 : i32
      %dma_wait3A = arith.constant 0 : i32
      %dma_wait3A_74 = arith.constant 0 : i32
      %dma_wait3A_75 = tpu.memref_slice %arg2[%dma_wait3A, %dma_wait3A_74] : memref<163840x128xf32, #tpu.memory_space<hbm>> -> memref<163840x128xf32, #tpu.memory_space<hbm>>
      tpu.wait_indirect_dma semaphore(%arg15 : memref<!tpu.dma_semaphore, #tpu.memory_space<semaphore_mem>>) src(%dma_wait3A_75 : memref<163840x128xf32, #tpu.memory_space<hbm>>) dst(%arg11 : memref<80x128xf32, #tpu.memory_space<vmem>>)
      "tpu.region"() ({
        %run_scoped3A = tpu.sem_alloc : memref<!tpu.dma_semaphore, #tpu.memory_space<semaphore_mem>>
        %dma_start3A_79 = arith.constant 0 : i32
        %dma_start3A_80 = arith.constant 0 : i32
        %dma_start3A_81 = tpu.memref_slice %arg14[%dma_start3A_79, %dma_start3A_80] : memref<10240x128xf32, #tpu.memory_space<vmem_shared>> -> memref<10240x128xf32, #tpu.memory_space<vmem_shared>>
        tpu.enqueue_indirect_dma source(%arg11 : memref<80x128xf32, #tpu.memory_space<vmem>>) target(%dma_start3A_81 : memref<10240x128xf32, #tpu.memory_space<vmem_shared>>) offsets(%arg9 : memref<80xi32, #tpu.memory_space<vmem>>) semaphore(%run_scoped3A : memref<!tpu.dma_semaphore, #tpu.memory_space<semaphore_mem>>) {add = true}
        %dma_wait3A_82 = arith.constant 0 : i32
        %dma_wait3A_83 = arith.constant 0 : i32
        %dma_wait3A_84 = tpu.memref_slice %arg14[%dma_wait3A_82, %dma_wait3A_83] : memref<10240x128xf32, #tpu.memory_space<vmem_shared>> -> memref<10240x128xf32, #tpu.memory_space<vmem_shared>>
        tpu.wait_indirect_dma semaphore(%run_scoped3A : memref<!tpu.dma_semaphore, #tpu.memory_space<semaphore_mem>>) src(%arg11 : memref<80x128xf32, #tpu.memory_space<vmem>>) dst(%dma_wait3A_84 : memref<10240x128xf32, #tpu.memory_space<vmem_shared>>)
        tpu.yield
      }) : () -> ()
      %barrier3A_76 = arith.constant 0 : index
      tpu.barrier barrier_id(%barrier3A_76)
      %add3A_77 = arith.addi %mul3A_22, %mul3A_2 : i32
      "tpu.region"() ({
        %run_scoped3A = tpu.sem_alloc : memref<!tpu.dma_semaphore, #tpu.memory_space<semaphore_mem>>
        %dma_start3A_79 = arith.constant 0 : i32
        %dma_start3A_80 = tpu.memref_slice %arg6[%add3A_77, %dma_start3A_79] : memref<163840x128xf32, #tpu.memory_space<hbm>> -> memref<640x128xf32, #tpu.memory_space<hbm>>
        %dma_start3A_81 = arith.constant 0 : i32
        %dma_start3A_82 = tpu.memref_slice %arg14[%mul3A_2, %dma_start3A_81] : memref<10240x128xf32, #tpu.memory_space<vmem_shared>> -> memref<640x128xf32, #tpu.memory_space<vmem_shared>>
        tpu.enqueue_dma source(%dma_start3A_82 : memref<640x128xf32, #tpu.memory_space<vmem_shared>>) target(%dma_start3A_80 : memref<640x128xf32, #tpu.memory_space<hbm>>) target_semaphore(%run_scoped3A : memref<!tpu.dma_semaphore, #tpu.memory_space<semaphore_mem>>)
        %dma_wait3A_83 = arith.constant 0 : i32
        %dma_wait3A_84 = tpu.memref_slice %arg6[%add3A_77, %dma_wait3A_83] : memref<163840x128xf32, #tpu.memory_space<hbm>> -> memref<640x128xf32, #tpu.memory_space<hbm>>
        %dma_wait3A_85 = arith.constant 0 : i32
        %dma_wait3A_86 = tpu.memref_slice %arg14[%mul3A_2, %dma_wait3A_85] : memref<10240x128xf32, #tpu.memory_space<vmem_shared>> -> memref<640x128xf32, #tpu.memory_space<vmem_shared>>
        tpu.wait_dma2 semaphore(%run_scoped3A : memref<!tpu.dma_semaphore, #tpu.memory_space<semaphore_mem>>) src(%dma_wait3A_86 : memref<640x128xf32, #tpu.memory_space<vmem_shared>>) dst(%dma_wait3A_84 : memref<640x128xf32, #tpu.memory_space<hbm>>)
        tpu.yield
      }) : () -> ()
      %barrier3A_78 = arith.constant 0 : index
      tpu.barrier barrier_id(%barrier3A_78)
    }
    %scan3A_7 = arith.constant 8 : i32
    return
  }
}

#map = affine_map<(d0, d1) -> (0, 0)>
#map1 = affine_map<(d0, d1) -> (0)>
module attributes {stable_mosaic.version = 14 : i64} {
  func.func @g_all(%arg0: i32, %arg1: i32, %arg2: memref<163840x128xf32, #tpu.memory_space<hbm>>, %arg3: memref<160000xi32, #tpu.memory_space<hbm>>, %arg4: memref<160000xi32, #tpu.memory_space<hbm>>, %arg5: memref<128x128xf32, #tpu.memory_space<hbm>>, %arg6: memref<163840x128xf32, #tpu.memory_space<hbm>>, %arg7: memref<80xi32, #tpu.memory_space<vmem>>, %arg8: memref<80xi32, #tpu.memory_space<vmem>>, %arg9: memref<80xi32, #tpu.memory_space<vmem>>, %arg10: memref<80xi32, #tpu.memory_space<vmem>>, %arg11: memref<80x128xf32, #tpu.memory_space<vmem>>, %arg12: memref<80x128xf32, #tpu.memory_space<vmem>>, %arg13: memref<128x128xf32, #tpu.memory_space<vmem>>, %arg14: memref<10240x128xf32, #tpu.memory_space<vmem_shared>>, %arg15: memref<!tpu.dma_semaphore, #tpu.memory_space<semaphore_mem>>, %arg16: memref<!tpu.dma_semaphore, #tpu.memory_space<semaphore_mem>>) attributes {dimension_semantics = [#tpu.dimension_semantics<core_parallel>, #tpu.dimension_semantics<subcore_parallel>], iteration_bounds = array<i64: 2, 16>, scalar_prefetch = 0 : i64, scratch_operands = 10 : i64, tpu.core_type = #tpu.core_type<sc_vector_subcore>, window_params = [{transform_indices = #map}, {transform_indices = #map1}, {transform_indices = #map1}, {transform_indices = #map}, {transform_indices = #map}]} {
    %mul3A = arith.constant 10000 : i32
    %mul3A_0 = arith.muli %arg1, %mul3A : i32
    %mul3A_1 = arith.constant 640 : i32
    %mul3A_2 = arith.muli %arg1, %mul3A_1 : i32
    "tpu.region"() ({
      %run_scoped3A = tpu.sem_alloc : memref<!tpu.dma_semaphore, #tpu.memory_space<semaphore_mem>>
      tpu.enqueue_dma source(%arg5 : memref<128x128xf32, #tpu.memory_space<hbm>>) target(%arg13 : memref<128x128xf32, #tpu.memory_space<vmem>>) target_semaphore(%run_scoped3A : memref<!tpu.dma_semaphore, #tpu.memory_space<semaphore_mem>>)
      tpu.wait_dma2 semaphore(%run_scoped3A : memref<!tpu.dma_semaphore, #tpu.memory_space<semaphore_mem>>) src(%arg5 : memref<128x128xf32, #tpu.memory_space<hbm>>) dst(%arg13 : memref<128x128xf32, #tpu.memory_space<vmem>>)
      tpu.yield
    }) : () -> ()
    %scan3A = arith.constant 0 : i32
    %scan3A_3 = arith.constant 0 : i32
    %scan3A_4 = arith.constant 8 : i32
    %scan3A_5 = arith.addi %scan3A_3, %scan3A_4 : i32
    %scan3A_6 = arith.constant 1 : i32
    scf.for %scan3A_8 = %scan3A_3 to %scan3A_5 step %scan3A_6  : i32 {
      %add3A = arith.constant 0 : i32
      %add3A_9 = arith.addi %mul3A_2, %add3A : i32
      "tpu.region"() ({
        %run_scoped3A = tpu.sem_alloc : memref<!tpu.dma_semaphore, #tpu.memory_space<semaphore_mem>>
        %dma_start3A_79 = arith.constant 0 : i32
        %dma_start3A_80 = tpu.memref_slice %arg14[%add3A_9, %dma_start3A_79] : memref<10240x128xf32, #tpu.memory_space<vmem_shared>> -> memref<128x128xf32, #tpu.memory_space<vmem_shared>>
        %dma_start3A_81 = arith.constant 0 : i32
        %dma_start3A_82 = tpu.memref_slice %arg14[%add3A_9, %dma_start3A_81] : memref<10240x128xf32, #tpu.memory_space<vmem_shared>> -> memref<128x128xf32, #tpu.memory_space<vmem_shared>>
        tpu.enqueue_dma source(%arg13 : memref<128x128xf32, #tpu.memory_space<vmem>>) target(%dma_start3A_82 : memref<128x128xf32, #tpu.memory_space<vmem_shared>>) target_semaphore(%run_scoped3A : memref<!tpu.dma_semaphore, #tpu.memory_space<semaphore_mem>>)
        %dma_wait3A_83 = arith.constant 0 : i32
        %dma_wait3A_84 = tpu.memref_slice %arg14[%add3A_9, %dma_wait3A_83] : memref<10240x128xf32, #tpu.memory_space<vmem_shared>> -> memref<128x128xf32, #tpu.memory_space<vmem_shared>>
        %dma_wait3A_85 = arith.constant 0 : i32
        %dma_wait3A_86 = tpu.memref_slice %arg14[%add3A_9, %dma_wait3A_85] : memref<10240x128xf32, #tpu.memory_space<vmem_shared>> -> memref<128x128xf32, #tpu.memory_space<vmem_shared>>
        tpu.wait_dma2 semaphore(%run_scoped3A : memref<!tpu.dma_semaphore, #tpu.memory_space<semaphore_mem>>) src(%arg13 : memref<128x128xf32, #tpu.memory_space<vmem>>) dst(%dma_wait3A_86 : memref<128x128xf32, #tpu.memory_space<vmem_shared>>)
        tpu.yield
      }) : () -> ()
      %add3A_10 = arith.constant 128 : i32
      %add3A_11 = arith.addi %mul3A_2, %add3A_10 : i32
      "tpu.region"() ({
        %run_scoped3A = tpu.sem_alloc : memref<!tpu.dma_semaphore, #tpu.memory_space<semaphore_mem>>
        %dma_start3A_79 = arith.constant 0 : i32
        %dma_start3A_80 = tpu.memref_slice %arg14[%add3A_11, %dma_start3A_79] : memref<10240x128xf32, #tpu.memory_space<vmem_shared>> -> memref<128x128xf32, #tpu.memory_space<vmem_shared>>
        %dma_start3A_81 = arith.constant 0 : i32
        %dma_start3A_82 = tpu.memref_slice %arg14[%add3A_11, %dma_start3A_81] : memref<10240x128xf32, #tpu.memory_space<vmem_shared>> -> memref<128x128xf32, #tpu.memory_space<vmem_shared>>
        tpu.enqueue_dma source(%arg13 : memref<128x128xf32, #tpu.memory_space<vmem>>) target(%dma_start3A_82 : memref<128x128xf32, #tpu.memory_space<vmem_shared>>) target_semaphore(%run_scoped3A : memref<!tpu.dma_semaphore, #tpu.memory_space<semaphore_mem>>)
        %dma_wait3A_83 = arith.constant 0 : i32
        %dma_wait3A_84 = tpu.memref_slice %arg14[%add3A_11, %dma_wait3A_83] : memref<10240x128xf32, #tpu.memory_space<vmem_shared>> -> memref<128x128xf32, #tpu.memory_space<vmem_shared>>
        %dma_wait3A_85 = arith.constant 0 : i32
        %dma_wait3A_86 = tpu.memref_slice %arg14[%add3A_11, %dma_wait3A_85] : memref<10240x128xf32, #tpu.memory_space<vmem_shared>> -> memref<128x128xf32, #tpu.memory_space<vmem_shared>>
        tpu.wait_dma2 semaphore(%run_scoped3A : memref<!tpu.dma_semaphore, #tpu.memory_space<semaphore_mem>>) src(%arg13 : memref<128x128xf32, #tpu.memory_space<vmem>>) dst(%dma_wait3A_86 : memref<128x128xf32, #tpu.memory_space<vmem_shared>>)
        tpu.yield
      }) : () -> ()
      %add3A_12 = arith.constant 256 : i32
      %add3A_13 = arith.addi %mul3A_2, %add3A_12 : i32
      "tpu.region"() ({
        %run_scoped3A = tpu.sem_alloc : memref<!tpu.dma_semaphore, #tpu.memory_space<semaphore_mem>>
        %dma_start3A_79 = arith.constant 0 : i32
        %dma_start3A_80 = tpu.memref_slice %arg14[%add3A_13, %dma_start3A_79] : memref<10240x128xf32, #tpu.memory_space<vmem_shared>> -> memref<128x128xf32, #tpu.memory_space<vmem_shared>>
        %dma_start3A_81 = arith.constant 0 : i32
        %dma_start3A_82 = tpu.memref_slice %arg14[%add3A_13, %dma_start3A_81] : memref<10240x128xf32, #tpu.memory_space<vmem_shared>> -> memref<128x128xf32, #tpu.memory_space<vmem_shared>>
        tpu.enqueue_dma source(%arg13 : memref<128x128xf32, #tpu.memory_space<vmem>>) target(%dma_start3A_82 : memref<128x128xf32, #tpu.memory_space<vmem_shared>>) target_semaphore(%run_scoped3A : memref<!tpu.dma_semaphore, #tpu.memory_space<semaphore_mem>>)
        %dma_wait3A_83 = arith.constant 0 : i32
        %dma_wait3A_84 = tpu.memref_slice %arg14[%add3A_13, %dma_wait3A_83] : memref<10240x128xf32, #tpu.memory_space<vmem_shared>> -> memref<128x128xf32, #tpu.memory_space<vmem_shared>>
        %dma_wait3A_85 = arith.constant 0 : i32
        %dma_wait3A_86 = tpu.memref_slice %arg14[%add3A_13, %dma_wait3A_85] : memref<10240x128xf32, #tpu.memory_space<vmem_shared>> -> memref<128x128xf32, #tpu.memory_space<vmem_shared>>
        tpu.wait_dma2 semaphore(%run_scoped3A : memref<!tpu.dma_semaphore, #tpu.memory_space<semaphore_mem>>) src(%arg13 : memref<128x128xf32, #tpu.memory_space<vmem>>) dst(%dma_wait3A_86 : memref<128x128xf32, #tpu.memory_space<vmem_shared>>)
        tpu.yield
      }) : () -> ()
      %add3A_14 = arith.constant 384 : i32
      %add3A_15 = arith.addi %mul3A_2, %add3A_14 : i32
      "tpu.region"() ({
        %run_scoped3A = tpu.sem_alloc : memref<!tpu.dma_semaphore, #tpu.memory_space<semaphore_mem>>
        %dma_start3A_79 = arith.constant 0 : i32
        %dma_start3A_80 = tpu.memref_slice %arg14[%add3A_15, %dma_start3A_79] : memref<10240x128xf32, #tpu.memory_space<vmem_shared>> -> memref<128x128xf32, #tpu.memory_space<vmem_shared>>
        %dma_start3A_81 = arith.constant 0 : i32
        %dma_start3A_82 = tpu.memref_slice %arg14[%add3A_15, %dma_start3A_81] : memref<10240x128xf32, #tpu.memory_space<vmem_shared>> -> memref<128x128xf32, #tpu.memory_space<vmem_shared>>
        tpu.enqueue_dma source(%arg13 : memref<128x128xf32, #tpu.memory_space<vmem>>) target(%dma_start3A_82 : memref<128x128xf32, #tpu.memory_space<vmem_shared>>) target_semaphore(%run_scoped3A : memref<!tpu.dma_semaphore, #tpu.memory_space<semaphore_mem>>)
        %dma_wait3A_83 = arith.constant 0 : i32
        %dma_wait3A_84 = tpu.memref_slice %arg14[%add3A_15, %dma_wait3A_83] : memref<10240x128xf32, #tpu.memory_space<vmem_shared>> -> memref<128x128xf32, #tpu.memory_space<vmem_shared>>
        %dma_wait3A_85 = arith.constant 0 : i32
        %dma_wait3A_86 = tpu.memref_slice %arg14[%add3A_15, %dma_wait3A_85] : memref<10240x128xf32, #tpu.memory_space<vmem_shared>> -> memref<128x128xf32, #tpu.memory_space<vmem_shared>>
        tpu.wait_dma2 semaphore(%run_scoped3A : memref<!tpu.dma_semaphore, #tpu.memory_space<semaphore_mem>>) src(%arg13 : memref<128x128xf32, #tpu.memory_space<vmem>>) dst(%dma_wait3A_86 : memref<128x128xf32, #tpu.memory_space<vmem_shared>>)
        tpu.yield
      }) : () -> ()
      %add3A_16 = arith.constant 512 : i32
      %add3A_17 = arith.addi %mul3A_2, %add3A_16 : i32
      "tpu.region"() ({
        %run_scoped3A = tpu.sem_alloc : memref<!tpu.dma_semaphore, #tpu.memory_space<semaphore_mem>>
        %dma_start3A_79 = arith.constant 0 : i32
        %dma_start3A_80 = tpu.memref_slice %arg14[%add3A_17, %dma_start3A_79] : memref<10240x128xf32, #tpu.memory_space<vmem_shared>> -> memref<128x128xf32, #tpu.memory_space<vmem_shared>>
        %dma_start3A_81 = arith.constant 0 : i32
        %dma_start3A_82 = tpu.memref_slice %arg14[%add3A_17, %dma_start3A_81] : memref<10240x128xf32, #tpu.memory_space<vmem_shared>> -> memref<128x128xf32, #tpu.memory_space<vmem_shared>>
        tpu.enqueue_dma source(%arg13 : memref<128x128xf32, #tpu.memory_space<vmem>>) target(%dma_start3A_82 : memref<128x128xf32, #tpu.memory_space<vmem_shared>>) target_semaphore(%run_scoped3A : memref<!tpu.dma_semaphore, #tpu.memory_space<semaphore_mem>>)
        %dma_wait3A_83 = arith.constant 0 : i32
        %dma_wait3A_84 = tpu.memref_slice %arg14[%add3A_17, %dma_wait3A_83] : memref<10240x128xf32, #tpu.memory_space<vmem_shared>> -> memref<128x128xf32, #tpu.memory_space<vmem_shared>>
        %dma_wait3A_85 = arith.constant 0 : i32
        %dma_wait3A_86 = tpu.memref_slice %arg14[%add3A_17, %dma_wait3A_85] : memref<10240x128xf32, #tpu.memory_space<vmem_shared>> -> memref<128x128xf32, #tpu.memory_space<vmem_shared>>
        tpu.wait_dma2 semaphore(%run_scoped3A : memref<!tpu.dma_semaphore, #tpu.memory_space<semaphore_mem>>) src(%arg13 : memref<128x128xf32, #tpu.memory_space<vmem>>) dst(%dma_wait3A_86 : memref<128x128xf32, #tpu.memory_space<vmem_shared>>)
        tpu.yield
      }) : () -> ()
      %barrier3A = arith.constant 0 : index
      tpu.barrier barrier_id(%barrier3A)
      %mul3A_18 = arith.constant 2 : i32
      %mul3A_19 = arith.muli %scan3A_8, %mul3A_18 : i32
      %add3A_20 = arith.addi %mul3A_19, %arg0 : i32
      %mul3A_21 = arith.constant 10240 : i32
      %mul3A_22 = arith.muli %add3A_20, %mul3A_21 : i32
      %broadcast_in_dim3A = arith.constant 0 : i32
      %broadcast_in_dim3A_23 = vector.broadcast %broadcast_in_dim3A : i32 to vector<16xi32>
      %add3A_24 = vector.broadcast %mul3A_22 : i32 to vector<16xi32>
      %add3A_25 = arith.addi %broadcast_in_dim3A_23, %add3A_24 : vector<16xi32>
      %add3A_26 = arith.constant 0 : i32
      %add3A_27 = arith.addi %mul3A_0, %add3A_26 : i32
      "tpu.region"() ({
        %run_scoped3A = tpu.sem_alloc : memref<!tpu.dma_semaphore, #tpu.memory_space<semaphore_mem>>
        %dma_start3A_79 = tpu.memref_slice %arg3[%add3A_27] : memref<160000xi32, #tpu.memory_space<hbm>> -> memref<80xi32, #tpu.memory_space<hbm>>
        %dma_start3A_80 = tpu.memref_slice %arg3[%add3A_27] : memref<160000xi32, #tpu.memory_space<hbm>> -> memref<80xi32, #tpu.memory_space<hbm>>
        tpu.enqueue_dma source(%dma_start3A_80 : memref<80xi32, #tpu.memory_space<hbm>>) target(%arg7 : memref<80xi32, #tpu.memory_space<vmem>>) target_semaphore(%run_scoped3A : memref<!tpu.dma_semaphore, #tpu.memory_space<semaphore_mem>>)
        %dma_wait3A_81 = tpu.memref_slice %arg3[%add3A_27] : memref<160000xi32, #tpu.memory_space<hbm>> -> memref<80xi32, #tpu.memory_space<hbm>>
        %dma_wait3A_82 = tpu.memref_slice %arg3[%add3A_27] : memref<160000xi32, #tpu.memory_space<hbm>> -> memref<80xi32, #tpu.memory_space<hbm>>
        tpu.wait_dma2 semaphore(%run_scoped3A : memref<!tpu.dma_semaphore, #tpu.memory_space<semaphore_mem>>) src(%dma_wait3A_82 : memref<80xi32, #tpu.memory_space<hbm>>) dst(%arg7 : memref<80xi32, #tpu.memory_space<vmem>>)
        tpu.yield
      }) : () -> ()
      "tpu.region"() ({
        %run_scoped3A = tpu.sem_alloc : memref<!tpu.dma_semaphore, #tpu.memory_space<semaphore_mem>>
        %dma_start3A_79 = tpu.memref_slice %arg4[%add3A_27] : memref<160000xi32, #tpu.memory_space<hbm>> -> memref<80xi32, #tpu.memory_space<hbm>>
        %dma_start3A_80 = tpu.memref_slice %arg4[%add3A_27] : memref<160000xi32, #tpu.memory_space<hbm>> -> memref<80xi32, #tpu.memory_space<hbm>>
        tpu.enqueue_dma source(%dma_start3A_80 : memref<80xi32, #tpu.memory_space<hbm>>) target(%arg9 : memref<80xi32, #tpu.memory_space<vmem>>) target_semaphore(%run_scoped3A : memref<!tpu.dma_semaphore, #tpu.memory_space<semaphore_mem>>)
        %dma_wait3A_81 = tpu.memref_slice %arg4[%add3A_27] : memref<160000xi32, #tpu.memory_space<hbm>> -> memref<80xi32, #tpu.memory_space<hbm>>
        %dma_wait3A_82 = tpu.memref_slice %arg4[%add3A_27] : memref<160000xi32, #tpu.memory_space<hbm>> -> memref<80xi32, #tpu.memory_space<hbm>>
        tpu.wait_dma2 semaphore(%run_scoped3A : memref<!tpu.dma_semaphore, #tpu.memory_space<semaphore_mem>>) src(%dma_wait3A_82 : memref<80xi32, #tpu.memory_space<hbm>>) dst(%arg9 : memref<80xi32, #tpu.memory_space<vmem>>)
        tpu.yield
      }) : () -> ()
      %get3A = arith.constant 0 : index
      %get3A_28 = tpu.vector_load %arg7[%get3A] {strides = array<i32>} : memref<80xi32, #tpu.memory_space<vmem>>, vector<16xi32>,
      %get3A_29 = vector.shape_cast %get3A_28 : vector<16xi32> to vector<16xi32>
      %add3A_30 = arith.addi %get3A_29, %add3A_25 : vector<16xi32>
      %swap3A = arith.constant 0 : index
      %swap3A_31 = tpu.vector_load %arg7[%swap3A] {strides = array<i32>} : memref<80xi32, #tpu.memory_space<vmem>>, vector<16xi32>,
      %swap3A_32 = vector.shape_cast %swap3A_31 : vector<16xi32> to vector<16xi32>
      %swap3A_33 = vector.shape_cast %add3A_30 : vector<16xi32> to vector<16xi32>
      tpu.vector_store %arg7[%swap3A], %swap3A_33 {strides = array<i32>} : memref<80xi32, #tpu.memory_space<vmem>>, vector<16xi32>,
      %get3A_34 = arith.constant 16 : index
      %get3A_35 = tpu.vector_load %arg7[%get3A_34] {strides = array<i32>} : memref<80xi32, #tpu.memory_space<vmem>>, vector<16xi32>,
      %get3A_36 = vector.shape_cast %get3A_35 : vector<16xi32> to vector<16xi32>
      %add3A_37 = arith.addi %get3A_36, %add3A_25 : vector<16xi32>
      %swap3A_38 = arith.constant 16 : index
      %swap3A_39 = tpu.vector_load %arg7[%swap3A_38] {strides = array<i32>} : memref<80xi32, #tpu.memory_space<vmem>>, vector<16xi32>,
      %swap3A_40 = vector.shape_cast %swap3A_39 : vector<16xi32> to vector<16xi32>
      %swap3A_41 = vector.shape_cast %add3A_37 : vector<16xi32> to vector<16xi32>
      tpu.vector_store %arg7[%swap3A_38], %swap3A_41 {strides = array<i32>} : memref<80xi32, #tpu.memory_space<vmem>>, vector<16xi32>,
      %get3A_42 = arith.constant 32 : index
      %get3A_43 = tpu.vector_load %arg7[%get3A_42] {strides = array<i32>} : memref<80xi32, #tpu.memory_space<vmem>>, vector<16xi32>,
      %get3A_44 = vector.shape_cast %get3A_43 : vector<16xi32> to vector<16xi32>
      %add3A_45 = arith.addi %get3A_44, %add3A_25 : vector<16xi32>
      %swap3A_46 = arith.constant 32 : index
      %swap3A_47 = tpu.vector_load %arg7[%swap3A_46] {strides = array<i32>} : memref<80xi32, #tpu.memory_space<vmem>>, vector<16xi32>,
      %swap3A_48 = vector.shape_cast %swap3A_47 : vector<16xi32> to vector<16xi32>
      %swap3A_49 = vector.shape_cast %add3A_45 : vector<16xi32> to vector<16xi32>
      tpu.vector_store %arg7[%swap3A_46], %swap3A_49 {strides = array<i32>} : memref<80xi32, #tpu.memory_space<vmem>>, vector<16xi32>,
      %get3A_50 = arith.constant 48 : index
      %get3A_51 = tpu.vector_load %arg7[%get3A_50] {strides = array<i32>} : memref<80xi32, #tpu.memory_space<vmem>>, vector<16xi32>,
      %get3A_52 = vector.shape_cast %get3A_51 : vector<16xi32> to vector<16xi32>
      %add3A_53 = arith.addi %get3A_52, %add3A_25 : vector<16xi32>
      %swap3A_54 = arith.constant 48 : index
      %swap3A_55 = tpu.vector_load %arg7[%swap3A_54] {strides = array<i32>} : memref<80xi32, #tpu.memory_space<vmem>>, vector<16xi32>,
      %swap3A_56 = vector.shape_cast %swap3A_55 : vector<16xi32> to vector<16xi32>
      %swap3A_57 = vector.shape_cast %add3A_53 : vector<16xi32> to vector<16xi32>
      tpu.vector_store %arg7[%swap3A_54], %swap3A_57 {strides = array<i32>} : memref<80xi32, #tpu.memory_space<vmem>>, vector<16xi32>,
      %get3A_58 = arith.constant 64 : index
      %get3A_59 = tpu.vector_load %arg7[%get3A_58] {strides = array<i32>} : memref<80xi32, #tpu.memory_space<vmem>>, vector<16xi32>,
      %get3A_60 = vector.shape_cast %get3A_59 : vector<16xi32> to vector<16xi32>
      %add3A_61 = arith.addi %get3A_60, %add3A_25 : vector<16xi32>
      %swap3A_62 = arith.constant 64 : index
      %swap3A_63 = tpu.vector_load %arg7[%swap3A_62] {strides = array<i32>} : memref<80xi32, #tpu.memory_space<vmem>>, vector<16xi32>,
      %swap3A_64 = vector.shape_cast %swap3A_63 : vector<16xi32> to vector<16xi32>
      %swap3A_65 = vector.shape_cast %add3A_61 : vector<16xi32> to vector<16xi32>
      tpu.vector_store %arg7[%swap3A_62], %swap3A_65 {strides = array<i32>} : memref<80xi32, #tpu.memory_space<vmem>>, vector<16xi32>,
      %dma_start3A = arith.constant 0 : i32
      %dma_start3A_66 = arith.constant 0 : i32
      %dma_start3A_67 = tpu.memref_slice %arg2[%dma_start3A, %dma_start3A_66] : memref<163840x128xf32, #tpu.memory_space<hbm>> -> memref<163840x128xf32, #tpu.memory_space<hbm>>
      tpu.enqueue_indirect_dma source(%dma_start3A_67 : memref<163840x128xf32, #tpu.memory_space<hbm>>) target(%arg11 : memref<80x128xf32, #tpu.memory_space<vmem>>) offsets(%arg7 : memref<80xi32, #tpu.memory_space<vmem>>) semaphore(%arg15 : memref<!tpu.dma_semaphore, #tpu.memory_space<semaphore_mem>>)
      %scan3A_68 = arith.constant 0 : i32
      %scan3A_69 = arith.constant 0 : i32
      %scan3A_70 = arith.constant 62 : i32
      %scan3A_71 = arith.addi %scan3A_69, %scan3A_70 : i32
      %scan3A_72 = arith.constant 1 : i32
      scf.for %scan3A_79 = %scan3A_69 to %scan3A_71 step %scan3A_72  : i32 {
        %mul3A_80 = arith.constant 2 : i32
        %mul3A_81 = arith.muli %mul3A_80, %scan3A_79 : i32
        %add3A_82 = arith.constant 1 : i32
        %add3A_83 = arith.addi %mul3A_81, %add3A_82 : i32
        %mul3A_84 = arith.constant 80 : i32
        %mul3A_85 = arith.muli %add3A_83, %mul3A_84 : i32
        %add3A_86 = arith.addi %mul3A_0, %mul3A_85 : i32
        "tpu.region"() ({
          %run_scoped3A = tpu.sem_alloc : memref<!tpu.dma_semaphore, #tpu.memory_space<semaphore_mem>>
          %dma_start3A_184 = tpu.memref_slice %arg3[%add3A_86] : memref<160000xi32, #tpu.memory_space<hbm>> -> memref<80xi32, #tpu.memory_space<hbm>>
          %dma_start3A_185 = tpu.memref_slice %arg3[%add3A_86] : memref<160000xi32, #tpu.memory_space<hbm>> -> memref<80xi32, #tpu.memory_space<hbm>>
          tpu.enqueue_dma source(%dma_start3A_185 : memref<80xi32, #tpu.memory_space<hbm>>) target(%arg8 : memref<80xi32, #tpu.memory_space<vmem>>) target_semaphore(%run_scoped3A : memref<!tpu.dma_semaphore, #tpu.memory_space<semaphore_mem>>)
          %dma_wait3A_186 = tpu.memref_slice %arg3[%add3A_86] : memref<160000xi32, #tpu.memory_space<hbm>> -> memref<80xi32, #tpu.memory_space<hbm>>
          %dma_wait3A_187 = tpu.memref_slice %arg3[%add3A_86] : memref<160000xi32, #tpu.memory_space<hbm>> -> memref<80xi32, #tpu.memory_space<hbm>>
          tpu.wait_dma2 semaphore(%run_scoped3A : memref<!tpu.dma_semaphore, #tpu.memory_space<semaphore_mem>>) src(%dma_wait3A_187 : memref<80xi32, #tpu.memory_space<hbm>>) dst(%arg8 : memref<80xi32, #tpu.memory_space<vmem>>)
          tpu.yield
        }) : () -> ()
        "tpu.region"() ({
          %run_scoped3A = tpu.sem_alloc : memref<!tpu.dma_semaphore, #tpu.memory_space<semaphore_mem>>
          %dma_start3A_184 = tpu.memref_slice %arg4[%add3A_86] : memref<160000xi32, #tpu.memory_space<hbm>> -> memref<80xi32, #tpu.memory_space<hbm>>
          %dma_start3A_185 = tpu.memref_slice %arg4[%add3A_86] : memref<160000xi32, #tpu.memory_space<hbm>> -> memref<80xi32, #tpu.memory_space<hbm>>
          tpu.enqueue_dma source(%dma_start3A_185 : memref<80xi32, #tpu.memory_space<hbm>>) target(%arg10 : memref<80xi32, #tpu.memory_space<vmem>>) target_semaphore(%run_scoped3A : memref<!tpu.dma_semaphore, #tpu.memory_space<semaphore_mem>>)
          %dma_wait3A_186 = tpu.memref_slice %arg4[%add3A_86] : memref<160000xi32, #tpu.memory_space<hbm>> -> memref<80xi32, #tpu.memory_space<hbm>>
          %dma_wait3A_187 = tpu.memref_slice %arg4[%add3A_86] : memref<160000xi32, #tpu.memory_space<hbm>> -> memref<80xi32, #tpu.memory_space<hbm>>
          tpu.wait_dma2 semaphore(%run_scoped3A : memref<!tpu.dma_semaphore, #tpu.memory_space<semaphore_mem>>) src(%dma_wait3A_187 : memref<80xi32, #tpu.memory_space<hbm>>) dst(%arg10 : memref<80xi32, #tpu.memory_space<vmem>>)
          tpu.yield
        }) : () -> ()
        %get3A_87 = arith.constant 0 : index
        %get3A_88 = tpu.vector_load %arg8[%get3A_87] {strides = array<i32>} : memref<80xi32, #tpu.memory_space<vmem>>, vector<16xi32>,
        %get3A_89 = vector.shape_cast %get3A_88 : vector<16xi32> to vector<16xi32>
        %add3A_90 = arith.addi %get3A_89, %add3A_25 : vector<16xi32>
        %swap3A_91 = arith.constant 0 : index
        %swap3A_92 = tpu.vector_load %arg8[%swap3A_91] {strides = array<i32>} : memref<80xi32, #tpu.memory_space<vmem>>, vector<16xi32>,
        %swap3A_93 = vector.shape_cast %swap3A_92 : vector<16xi32> to vector<16xi32>
        %swap3A_94 = vector.shape_cast %add3A_90 : vector<16xi32> to vector<16xi32>
        tpu.vector_store %arg8[%swap3A_91], %swap3A_94 {strides = array<i32>} : memref<80xi32, #tpu.memory_space<vmem>>, vector<16xi32>,
        %get3A_95 = arith.constant 16 : index
        %get3A_96 = tpu.vector_load %arg8[%get3A_95] {strides = array<i32>} : memref<80xi32, #tpu.memory_space<vmem>>, vector<16xi32>,
        %get3A_97 = vector.shape_cast %get3A_96 : vector<16xi32> to vector<16xi32>
        %add3A_98 = arith.addi %get3A_97, %add3A_25 : vector<16xi32>
        %swap3A_99 = arith.constant 16 : index
        %swap3A_100 = tpu.vector_load %arg8[%swap3A_99] {strides = array<i32>} : memref<80xi32, #tpu.memory_space<vmem>>, vector<16xi32>,
        %swap3A_101 = vector.shape_cast %swap3A_100 : vector<16xi32> to vector<16xi32>
        %swap3A_102 = vector.shape_cast %add3A_98 : vector<16xi32> to vector<16xi32>
        tpu.vector_store %arg8[%swap3A_99], %swap3A_102 {strides = array<i32>} : memref<80xi32, #tpu.memory_space<vmem>>, vector<16xi32>,
        %get3A_103 = arith.constant 32 : index
        %get3A_104 = tpu.vector_load %arg8[%get3A_103] {strides = array<i32>} : memref<80xi32, #tpu.memory_space<vmem>>, vector<16xi32>,
        %get3A_105 = vector.shape_cast %get3A_104 : vector<16xi32> to vector<16xi32>
        %add3A_106 = arith.addi %get3A_105, %add3A_25 : vector<16xi32>
        %swap3A_107 = arith.constant 32 : index
        %swap3A_108 = tpu.vector_load %arg8[%swap3A_107] {strides = array<i32>} : memref<80xi32, #tpu.memory_space<vmem>>, vector<16xi32>,
        %swap3A_109 = vector.shape_cast %swap3A_108 : vector<16xi32> to vector<16xi32>
        %swap3A_110 = vector.shape_cast %add3A_106 : vector<16xi32> to vector<16xi32>
        tpu.vector_store %arg8[%swap3A_107], %swap3A_110 {strides = array<i32>} : memref<80xi32, #tpu.memory_space<vmem>>, vector<16xi32>,
        %get3A_111 = arith.constant 48 : index
        %get3A_112 = tpu.vector_load %arg8[%get3A_111] {strides = array<i32>} : memref<80xi32, #tpu.memory_space<vmem>>, vector<16xi32>,
        %get3A_113 = vector.shape_cast %get3A_112 : vector<16xi32> to vector<16xi32>
        %add3A_114 = arith.addi %get3A_113, %add3A_25 : vector<16xi32>
        %swap3A_115 = arith.constant 48 : index
        %swap3A_116 = tpu.vector_load %arg8[%swap3A_115] {strides = array<i32>} : memref<80xi32, #tpu.memory_space<vmem>>, vector<16xi32>,
        %swap3A_117 = vector.shape_cast %swap3A_116 : vector<16xi32> to vector<16xi32>
        %swap3A_118 = vector.shape_cast %add3A_114 : vector<16xi32> to vector<16xi32>
        tpu.vector_store %arg8[%swap3A_115], %swap3A_118 {strides = array<i32>} : memref<80xi32, #tpu.memory_space<vmem>>, vector<16xi32>,
        %get3A_119 = arith.constant 64 : index
        %get3A_120 = tpu.vector_load %arg8[%get3A_119] {strides = array<i32>} : memref<80xi32, #tpu.memory_space<vmem>>, vector<16xi32>,
        %get3A_121 = vector.shape_cast %get3A_120 : vector<16xi32> to vector<16xi32>
        %add3A_122 = arith.addi %get3A_121, %add3A_25 : vector<16xi32>
        %swap3A_123 = arith.constant 64 : index
        %swap3A_124 = tpu.vector_load %arg8[%swap3A_123] {strides = array<i32>} : memref<80xi32, #tpu.memory_space<vmem>>, vector<16xi32>,
        %swap3A_125 = vector.shape_cast %swap3A_124 : vector<16xi32> to vector<16xi32>
        %swap3A_126 = vector.shape_cast %add3A_122 : vector<16xi32> to vector<16xi32>
        tpu.vector_store %arg8[%swap3A_123], %swap3A_126 {strides = array<i32>} : memref<80xi32, #tpu.memory_space<vmem>>, vector<16xi32>,
        %dma_start3A_127 = arith.constant 0 : i32
        %dma_start3A_128 = arith.constant 0 : i32
        %dma_start3A_129 = tpu.memref_slice %arg2[%dma_start3A_127, %dma_start3A_128] : memref<163840x128xf32, #tpu.memory_space<hbm>> -> memref<163840x128xf32, #tpu.memory_space<hbm>>
        tpu.enqueue_indirect_dma source(%dma_start3A_129 : memref<163840x128xf32, #tpu.memory_space<hbm>>) target(%arg12 : memref<80x128xf32, #tpu.memory_space<vmem>>) offsets(%arg8 : memref<80xi32, #tpu.memory_space<vmem>>) semaphore(%arg16 : memref<!tpu.dma_semaphore, #tpu.memory_space<semaphore_mem>>)
        %dma_wait3A_130 = arith.constant 0 : i32
        %dma_wait3A_131 = arith.constant 0 : i32
        %dma_wait3A_132 = tpu.memref_slice %arg2[%dma_wait3A_130, %dma_wait3A_131] : memref<163840x128xf32, #tpu.memory_space<hbm>> -> memref<163840x128xf32, #tpu.memory_space<hbm>>
        tpu.wait_indirect_dma semaphore(%arg15 : memref<!tpu.dma_semaphore, #tpu.memory_space<semaphore_mem>>) src(%dma_wait3A_132 : memref<163840x128xf32, #tpu.memory_space<hbm>>) dst(%arg11 : memref<80x128xf32, #tpu.memory_space<vmem>>)
        "tpu.region"() ({
          %run_scoped3A = tpu.sem_alloc : memref<!tpu.dma_semaphore, #tpu.memory_space<semaphore_mem>>
          %dma_start3A_184 = arith.constant 0 : i32
          %dma_start3A_185 = arith.constant 0 : i32
          %dma_start3A_186 = tpu.memref_slice %arg14[%dma_start3A_184, %dma_start3A_185] : memref<10240x128xf32, #tpu.memory_space<vmem_shared>> -> memref<10240x128xf32, #tpu.memory_space<vmem_shared>>
          tpu.enqueue_indirect_dma source(%arg11 : memref<80x128xf32, #tpu.memory_space<vmem>>) target(%dma_start3A_186 : memref<10240x128xf32, #tpu.memory_space<vmem_shared>>) offsets(%arg9 : memref<80xi32, #tpu.memory_space<vmem>>) semaphore(%run_scoped3A : memref<!tpu.dma_semaphore, #tpu.memory_space<semaphore_mem>>) {add = true}
          %dma_wait3A_187 = arith.constant 0 : i32
          %dma_wait3A_188 = arith.constant 0 : i32
          %dma_wait3A_189 = tpu.memref_slice %arg14[%dma_wait3A_187, %dma_wait3A_188] : memref<10240x128xf32, #tpu.memory_space<vmem_shared>> -> memref<10240x128xf32, #tpu.memory_space<vmem_shared>>
          tpu.wait_indirect_dma semaphore(%run_scoped3A : memref<!tpu.dma_semaphore, #tpu.memory_space<semaphore_mem>>) src(%arg11 : memref<80x128xf32, #tpu.memory_space<vmem>>) dst(%dma_wait3A_189 : memref<10240x128xf32, #tpu.memory_space<vmem_shared>>)
          tpu.yield
        }) : () -> ()
        %add3A_133 = arith.constant 2 : i32
        %add3A_134 = arith.addi %mul3A_81, %add3A_133 : i32
        %mul3A_135 = arith.constant 80 : i32
        %mul3A_136 = arith.muli %add3A_134, %mul3A_135 : i32
        %add3A_137 = arith.addi %mul3A_0, %mul3A_136 : i32
        "tpu.region"() ({
          %run_scoped3A = tpu.sem_alloc : memref<!tpu.dma_semaphore, #tpu.memory_space<semaphore_mem>>
          %dma_start3A_184 = tpu.memref_slice %arg3[%add3A_137] : memref<160000xi32, #tpu.memory_space<hbm>> -> memref<80xi32, #tpu.memory_space<hbm>>
          %dma_start3A_185 = tpu.memref_slice %arg3[%add3A_137] : memref<160000xi32, #tpu.memory_space<hbm>> -> memref<80xi32, #tpu.memory_space<hbm>>
          tpu.enqueue_dma source(%dma_start3A_185 : memref<80xi32, #tpu.memory_space<hbm>>) target(%arg7 : memref<80xi32, #tpu.memory_space<vmem>>) target_semaphore(%run_scoped3A : memref<!tpu.dma_semaphore, #tpu.memory_space<semaphore_mem>>)
          %dma_wait3A_186 = tpu.memref_slice %arg3[%add3A_137] : memref<160000xi32, #tpu.memory_space<hbm>> -> memref<80xi32, #tpu.memory_space<hbm>>
          %dma_wait3A_187 = tpu.memref_slice %arg3[%add3A_137] : memref<160000xi32, #tpu.memory_space<hbm>> -> memref<80xi32, #tpu.memory_space<hbm>>
          tpu.wait_dma2 semaphore(%run_scoped3A : memref<!tpu.dma_semaphore, #tpu.memory_space<semaphore_mem>>) src(%dma_wait3A_187 : memref<80xi32, #tpu.memory_space<hbm>>) dst(%arg7 : memref<80xi32, #tpu.memory_space<vmem>>)
          tpu.yield
        }) : () -> ()
        "tpu.region"() ({
          %run_scoped3A = tpu.sem_alloc : memref<!tpu.dma_semaphore, #tpu.memory_space<semaphore_mem>>
          %dma_start3A_184 = tpu.memref_slice %arg4[%add3A_137] : memref<160000xi32, #tpu.memory_space<hbm>> -> memref<80xi32, #tpu.memory_space<hbm>>
          %dma_start3A_185 = tpu.memref_slice %arg4[%add3A_137] : memref<160000xi32, #tpu.memory_space<hbm>> -> memref<80xi32, #tpu.memory_space<hbm>>
          tpu.enqueue_dma source(%dma_start3A_185 : memref<80xi32, #tpu.memory_space<hbm>>) target(%arg9 : memref<80xi32, #tpu.memory_space<vmem>>) target_semaphore(%run_scoped3A : memref<!tpu.dma_semaphore, #tpu.memory_space<semaphore_mem>>)
          %dma_wait3A_186 = tpu.memref_slice %arg4[%add3A_137] : memref<160000xi32, #tpu.memory_space<hbm>> -> memref<80xi32, #tpu.memory_space<hbm>>
          %dma_wait3A_187 = tpu.memref_slice %arg4[%add3A_137] : memref<160000xi32, #tpu.memory_space<hbm>> -> memref<80xi32, #tpu.memory_space<hbm>>
          tpu.wait_dma2 semaphore(%run_scoped3A : memref<!tpu.dma_semaphore, #tpu.memory_space<semaphore_mem>>) src(%dma_wait3A_187 : memref<80xi32, #tpu.memory_space<hbm>>) dst(%arg9 : memref<80xi32, #tpu.memory_space<vmem>>)
          tpu.yield
        }) : () -> ()
        %get3A_138 = arith.constant 0 : index
        %get3A_139 = tpu.vector_load %arg7[%get3A_138] {strides = array<i32>} : memref<80xi32, #tpu.memory_space<vmem>>, vector<16xi32>,
        %get3A_140 = vector.shape_cast %get3A_139 : vector<16xi32> to vector<16xi32>
        %add3A_141 = arith.addi %get3A_140, %add3A_25 : vector<16xi32>
        %swap3A_142 = arith.constant 0 : index
        %swap3A_143 = tpu.vector_load %arg7[%swap3A_142] {strides = array<i32>} : memref<80xi32, #tpu.memory_space<vmem>>, vector<16xi32>,
        %swap3A_144 = vector.shape_cast %swap3A_143 : vector<16xi32> to vector<16xi32>
        %swap3A_145 = vector.shape_cast %add3A_141 : vector<16xi32> to vector<16xi32>
        tpu.vector_store %arg7[%swap3A_142], %swap3A_145 {strides = array<i32>} : memref<80xi32, #tpu.memory_space<vmem>>, vector<16xi32>,
        %get3A_146 = arith.constant 16 : index
        %get3A_147 = tpu.vector_load %arg7[%get3A_146] {strides = array<i32>} : memref<80xi32, #tpu.memory_space<vmem>>, vector<16xi32>,
        %get3A_148 = vector.shape_cast %get3A_147 : vector<16xi32> to vector<16xi32>
        %add3A_149 = arith.addi %get3A_148, %add3A_25 : vector<16xi32>
        %swap3A_150 = arith.constant 16 : index
        %swap3A_151 = tpu.vector_load %arg7[%swap3A_150] {strides = array<i32>} : memref<80xi32, #tpu.memory_space<vmem>>, vector<16xi32>,
        %swap3A_152 = vector.shape_cast %swap3A_151 : vector<16xi32> to vector<16xi32>
        %swap3A_153 = vector.shape_cast %add3A_149 : vector<16xi32> to vector<16xi32>
        tpu.vector_store %arg7[%swap3A_150], %swap3A_153 {strides = array<i32>} : memref<80xi32, #tpu.memory_space<vmem>>, vector<16xi32>,
        %get3A_154 = arith.constant 32 : index
        %get3A_155 = tpu.vector_load %arg7[%get3A_154] {strides = array<i32>} : memref<80xi32, #tpu.memory_space<vmem>>, vector<16xi32>,
        %get3A_156 = vector.shape_cast %get3A_155 : vector<16xi32> to vector<16xi32>
        %add3A_157 = arith.addi %get3A_156, %add3A_25 : vector<16xi32>
        %swap3A_158 = arith.constant 32 : index
        %swap3A_159 = tpu.vector_load %arg7[%swap3A_158] {strides = array<i32>} : memref<80xi32, #tpu.memory_space<vmem>>, vector<16xi32>,
        %swap3A_160 = vector.shape_cast %swap3A_159 : vector<16xi32> to vector<16xi32>
        %swap3A_161 = vector.shape_cast %add3A_157 : vector<16xi32> to vector<16xi32>
        tpu.vector_store %arg7[%swap3A_158], %swap3A_161 {strides = array<i32>} : memref<80xi32, #tpu.memory_space<vmem>>, vector<16xi32>,
        %get3A_162 = arith.constant 48 : index
        %get3A_163 = tpu.vector_load %arg7[%get3A_162] {strides = array<i32>} : memref<80xi32, #tpu.memory_space<vmem>>, vector<16xi32>,
        %get3A_164 = vector.shape_cast %get3A_163 : vector<16xi32> to vector<16xi32>
        %add3A_165 = arith.addi %get3A_164, %add3A_25 : vector<16xi32>
        %swap3A_166 = arith.constant 48 : index
        %swap3A_167 = tpu.vector_load %arg7[%swap3A_166] {strides = array<i32>} : memref<80xi32, #tpu.memory_space<vmem>>, vector<16xi32>,
        %swap3A_168 = vector.shape_cast %swap3A_167 : vector<16xi32> to vector<16xi32>
        %swap3A_169 = vector.shape_cast %add3A_165 : vector<16xi32> to vector<16xi32>
        tpu.vector_store %arg7[%swap3A_166], %swap3A_169 {strides = array<i32>} : memref<80xi32, #tpu.memory_space<vmem>>, vector<16xi32>,
        %get3A_170 = arith.constant 64 : index
        %get3A_171 = tpu.vector_load %arg7[%get3A_170] {strides = array<i32>} : memref<80xi32, #tpu.memory_space<vmem>>, vector<16xi32>,
        %get3A_172 = vector.shape_cast %get3A_171 : vector<16xi32> to vector<16xi32>
        %add3A_173 = arith.addi %get3A_172, %add3A_25 : vector<16xi32>
        %swap3A_174 = arith.constant 64 : index
        %swap3A_175 = tpu.vector_load %arg7[%swap3A_174] {strides = array<i32>} : memref<80xi32, #tpu.memory_space<vmem>>, vector<16xi32>,
        %swap3A_176 = vector.shape_cast %swap3A_175 : vector<16xi32> to vector<16xi32>
        %swap3A_177 = vector.shape_cast %add3A_173 : vector<16xi32> to vector<16xi32>
        tpu.vector_store %arg7[%swap3A_174], %swap3A_177 {strides = array<i32>} : memref<80xi32, #tpu.memory_space<vmem>>, vector<16xi32>,
        %dma_start3A_178 = arith.constant 0 : i32
        %dma_start3A_179 = arith.constant 0 : i32
        %dma_start3A_180 = tpu.memref_slice %arg2[%dma_start3A_178, %dma_start3A_179] : memref<163840x128xf32, #tpu.memory_space<hbm>> -> memref<163840x128xf32, #tpu.memory_space<hbm>>
        tpu.enqueue_indirect_dma source(%dma_start3A_180 : memref<163840x128xf32, #tpu.memory_space<hbm>>) target(%arg11 : memref<80x128xf32, #tpu.memory_space<vmem>>) offsets(%arg7 : memref<80xi32, #tpu.memory_space<vmem>>) semaphore(%arg15 : memref<!tpu.dma_semaphore, #tpu.memory_space<semaphore_mem>>)
        %dma_wait3A_181 = arith.constant 0 : i32
        %dma_wait3A_182 = arith.constant 0 : i32
        %dma_wait3A_183 = tpu.memref_slice %arg2[%dma_wait3A_181, %dma_wait3A_182] : memref<163840x128xf32, #tpu.memory_space<hbm>> -> memref<163840x128xf32, #tpu.memory_space<hbm>>
        tpu.wait_indirect_dma semaphore(%arg16 : memref<!tpu.dma_semaphore, #tpu.memory_space<semaphore_mem>>) src(%dma_wait3A_183 : memref<163840x128xf32, #tpu.memory_space<hbm>>) dst(%arg12 : memref<80x128xf32, #tpu.memory_space<vmem>>)
        "tpu.region"() ({
          %run_scoped3A = tpu.sem_alloc : memref<!tpu.dma_semaphore, #tpu.memory_space<semaphore_mem>>
          %dma_start3A_184 = arith.constant 0 : i32
          %dma_start3A_185 = arith.constant 0 : i32
          %dma_start3A_186 = tpu.memref_slice %arg14[%dma_start3A_184, %dma_start3A_185] : memref<10240x128xf32, #tpu.memory_space<vmem_shared>> -> memref<10240x128xf32, #tpu.memory_space<vmem_shared>>
          tpu.enqueue_indirect_dma source(%arg12 : memref<80x128xf32, #tpu.memory_space<vmem>>) target(%dma_start3A_186 : memref<10240x128xf32, #tpu.memory_space<vmem_shared>>) offsets(%arg10 : memref<80xi32, #tpu.memory_space<vmem>>) semaphore(%run_scoped3A : memref<!tpu.dma_semaphore, #tpu.memory_space<semaphore_mem>>) {add = true}
          %dma_wait3A_187 = arith.constant 0 : i32
          %dma_wait3A_188 = arith.constant 0 : i32
          %dma_wait3A_189 = tpu.memref_slice %arg14[%dma_wait3A_187, %dma_wait3A_188] : memref<10240x128xf32, #tpu.memory_space<vmem_shared>> -> memref<10240x128xf32, #tpu.memory_space<vmem_shared>>
          tpu.wait_indirect_dma semaphore(%run_scoped3A : memref<!tpu.dma_semaphore, #tpu.memory_space<semaphore_mem>>) src(%arg12 : memref<80x128xf32, #tpu.memory_space<vmem>>) dst(%dma_wait3A_189 : memref<10240x128xf32, #tpu.memory_space<vmem_shared>>)
          tpu.yield
        }) : () -> ()
      }
      %scan3A_73 = arith.constant 62 : i32
      %dma_wait3A = arith.constant 0 : i32
      %dma_wait3A_74 = arith.constant 0 : i32
      %dma_wait3A_75 = tpu.memref_slice %arg2[%dma_wait3A, %dma_wait3A_74] : memref<163840x128xf32, #tpu.memory_space<hbm>> -> memref<163840x128xf32, #tpu.memory_space<hbm>>
      tpu.wait_indirect_dma semaphore(%arg15 : memref<!tpu.dma_semaphore, #tpu.memory_space<semaphore_mem>>) src(%dma_wait3A_75 : memref<163840x128xf32, #tpu.memory_space<hbm>>) dst(%arg11 : memref<80x128xf32, #tpu.memory_space<vmem>>)
      "tpu.region"() ({
        %run_scoped3A = tpu.sem_alloc : memref<!tpu.dma_semaphore, #tpu.memory_space<semaphore_mem>>
        %dma_start3A_79 = arith.constant 0 : i32
        %dma_start3A_80 = arith.constant 0 : i32
        %dma_start3A_81 = tpu.memref_slice %arg14[%dma_start3A_79, %dma_start3A_80] : memref<10240x128xf32, #tpu.memory_space<vmem_shared>> -> memref<10240x128xf32, #tpu.memory_space<vmem_shared>>
        tpu.enqueue_indirect_dma source(%arg11 : memref<80x128xf32, #tpu.memory_space<vmem>>) target(%dma_start3A_81 : memref<10240x128xf32, #tpu.memory_space<vmem_shared>>) offsets(%arg9 : memref<80xi32, #tpu.memory_space<vmem>>) semaphore(%run_scoped3A : memref<!tpu.dma_semaphore, #tpu.memory_space<semaphore_mem>>) {add = true}
        %dma_wait3A_82 = arith.constant 0 : i32
        %dma_wait3A_83 = arith.constant 0 : i32
        %dma_wait3A_84 = tpu.memref_slice %arg14[%dma_wait3A_82, %dma_wait3A_83] : memref<10240x128xf32, #tpu.memory_space<vmem_shared>> -> memref<10240x128xf32, #tpu.memory_space<vmem_shared>>
        tpu.wait_indirect_dma semaphore(%run_scoped3A : memref<!tpu.dma_semaphore, #tpu.memory_space<semaphore_mem>>) src(%arg11 : memref<80x128xf32, #tpu.memory_space<vmem>>) dst(%dma_wait3A_84 : memref<10240x128xf32, #tpu.memory_space<vmem_shared>>)
        tpu.yield
      }) : () -> ()
      %barrier3A_76 = arith.constant 0 : index
      tpu.barrier barrier_id(%barrier3A_76)
      %add3A_77 = arith.addi %mul3A_22, %mul3A_2 : i32
      "tpu.region"() ({
        %run_scoped3A = tpu.sem_alloc : memref<!tpu.dma_semaphore, #tpu.memory_space<semaphore_mem>>
        %dma_start3A_79 = arith.constant 0 : i32
        %dma_start3A_80 = tpu.memref_slice %arg6[%add3A_77, %dma_start3A_79] : memref<163840x128xf32, #tpu.memory_space<hbm>> -> memref<640x128xf32, #tpu.memory_space<hbm>>
        %dma_start3A_81 = arith.constant 0 : i32
        %dma_start3A_82 = tpu.memref_slice %arg14[%mul3A_2, %dma_start3A_81] : memref<10240x128xf32, #tpu.memory_space<vmem_shared>> -> memref<640x128xf32, #tpu.memory_space<vmem_shared>>
        tpu.enqueue_dma source(%dma_start3A_82 : memref<640x128xf32, #tpu.memory_space<vmem_shared>>) target(%dma_start3A_80 : memref<640x128xf32, #tpu.memory_space<hbm>>) target_semaphore(%run_scoped3A : memref<!tpu.dma_semaphore, #tpu.memory_space<semaphore_mem>>)
        %dma_wait3A_83 = arith.constant 0 : i32
        %dma_wait3A_84 = tpu.memref_slice %arg6[%add3A_77, %dma_wait3A_83] : memref<163840x128xf32, #tpu.memory_space<hbm>> -> memref<640x128xf32, #tpu.memory_space<hbm>>
        %dma_wait3A_85 = arith.constant 0 : i32
        %dma_wait3A_86 = tpu.memref_slice %arg14[%mul3A_2, %dma_wait3A_85] : memref<10240x128xf32, #tpu.memory_space<vmem_shared>> -> memref<640x128xf32, #tpu.memory_space<vmem_shared>>
        tpu.wait_dma2 semaphore(%run_scoped3A : memref<!tpu.dma_semaphore, #tpu.memory_space<semaphore_mem>>) src(%dma_wait3A_86 : memref<640x128xf32, #tpu.memory_space<vmem_shared>>) dst(%dma_wait3A_84 : memref<640x128xf32, #tpu.memory_space<hbm>>)
        tpu.yield
      }) : () -> ()
      %barrier3A_78 = arith.constant 0 : index
      tpu.barrier barrier_id(%barrier3A_78)
    }
    %scan3A_7 = arith.constant 8 : i32
    return
  }
}

module attributes {stable_mosaic.version = 14 : i64} {
  func.func @_tc_matmul_body(%arg0: i32, %arg1: i32, %arg2: memref<1x2000x256xf32, #tpu.memory_space<vmem>>, %arg3: memref<1x2x2000x128xf32, #tpu.memory_space<vmem>>, %arg4: memref<1x2x2000x128xf32, #tpu.memory_space<vmem>>, %arg5: memref<2000x1xf32, #tpu.memory_space<vmem>>, %arg6: memref<256x256xf32, #tpu.memory_space<vmem>>, %arg7: memref<256x256xf32, #tpu.memory_space<vmem>>, %arg8: memref<256x256xf32, #tpu.memory_space<vmem>>, %arg9: memref<1x256xf32, #tpu.memory_space<vmem>>, %arg10: memref<1x2000x256xf32, #tpu.memory_space<vmem>>, %arg11: memref<1x1x256xf32, #tpu.memory_space<vmem>>, %arg12: memref<1x1x256xf32, #tpu.memory_space<vmem>>) attributes {dimension_semantics = [#tpu.dimension_semantics<arbitrary>, #tpu.dimension_semantics<arbitrary>], iteration_bounds = array<i64: 8, 5>, scalar_prefetch = 0 : i64, scratch_operands = 0 : i64, tpu.core_type = #tpu.core_type<tc>, window_params = [{transform_indices = @transform_0, window_bounds = array<i64: 1, 2000, 256>}, {transform_indices = @transform_1, window_bounds = array<i64: 1, 2, 2000, 128>}, {transform_indices = @transform_2, window_bounds = array<i64: 1, 2, 2000, 128>}, {transform_indices = @transform_3, window_bounds = array<i64: 2000, 1>}, {pipeline_mode = #tpu.pipeline_mode<synchronous>, transform_indices = @transform_4, window_bounds = array<i64: 256, 256>}, {pipeline_mode = #tpu.pipeline_mode<synchronous>, transform_indices = @transform_5, window_bounds = array<i64: 256, 256>}, {pipeline_mode = #tpu.pipeline_mode<synchronous>, transform_indices = @transform_6, window_bounds = array<i64: 256, 256>}, {pipeline_mode = #tpu.pipeline_mode<synchronous>, transform_indices = @transform_7, window_bounds = array<i64: 1, 256>}, {transform_indices = @transform_8, window_bounds = array<i64: 1, 2000, 256>}, {transform_indices = @transform_9, window_bounds = array<i64: 1, 1, 256>}, {transform_indices = @transform_10, window_bounds = array<i64: 1, 1, 256>}]} {
    %get3A = arith.constant 0 : index
    %get3A_0 = arith.constant 0 : index
    %get3A_1 = arith.constant 0 : index
    %get3A_2 = vector.load %arg2[%get3A, %get3A_0, %get3A_1] : memref<1x2000x256xf32, #tpu.memory_space<vmem>>, vector<1x2000x256xf32>
    %get3A_3 = vector.shape_cast %get3A_2 : vector<1x2000x256xf32> to vector<2000x256xf32>
    %get3A_4 = arith.constant 0 : index
    %get3A_5 = arith.constant 0 : index
    %get3A_6 = vector.load %arg5[%get3A_4, %get3A_5] : memref<2000x1xf32, #tpu.memory_space<vmem>>, vector<2000x1xf32>
    %get3A_7 = arith.constant 0 : index
    %get3A_8 = arith.constant 0 : index
    %get3A_9 = vector.load %arg6[%get3A_7, %get3A_8] : memref<256x256xf32, #tpu.memory_space<vmem>>, vector<256x256xf32>
    %dot_general3A = arith.constant dense<0.000000e+00> : vector<2000x256xf32>
    %dot_general3A_10 = tpu.matmul %get3A_3, %get3A_9, %dot_general3A {dimension_numbers = #tpu.dot_dimension_numbers<[1], [0], [0], [1], [0, 0, 1, 1], [], []>, transpose_lhs_hint = false} : vector<2000x256xf32>, vector<256x256xf32>, vector<2000x256xf32> -> vector<2000x256xf32>
    %get3A_11 = arith.constant 0 : index
    %get3A_12 = arith.constant 0 : index
    %get3A_13 = arith.constant 0 : index
    %get3A_14 = arith.constant 0 : index
    %get3A_15 = vector.load %arg3[%get3A_11, %get3A_12, %get3A_13, %get3A_14] : memref<1x2x2000x128xf32, #tpu.memory_space<vmem>>, vector<1x1x2000x128xf32>
    %get3A_16 = vector.shape_cast %get3A_15 : vector<1x1x2000x128xf32> to vector<2000x128xf32>
    %neg3A = arith.constant 0.000000e+00 : f32
    %neg3A_17 = vector.broadcast %neg3A : f32 to vector<2000x1xf32>
    %neg3A_18 = arith.subf %neg3A_17, %get3A_6 : vector<2000x1xf32>
    %mul3A = vector.broadcast %neg3A_18 : vector<2000x1xf32> to vector<2000x128xf32>
    %mul3A_19 = arith.mulf %get3A_16, %mul3A : vector<2000x128xf32>
    %get3A_20 = arith.constant 0 : index
    %get3A_21 = arith.constant 0 : index
    %get3A_22 = vector.load %arg7[%get3A_20, %get3A_21] : memref<256x256xf32, #tpu.memory_space<vmem>>, vector<128x256xf32>
    %dot_general3A_23 = arith.constant dense<0.000000e+00> : vector<2000x256xf32>
    %dot_general3A_24 = tpu.matmul %mul3A_19, %get3A_22, %dot_general3A_23 {dimension_numbers = #tpu.dot_dimension_numbers<[1], [0], [0], [1], [0, 0, 1, 1], [], []>, transpose_lhs_hint = false} : vector<2000x128xf32>, vector<128x256xf32>, vector<2000x256xf32> -> vector<2000x256xf32>
    %add3A = arith.addf %dot_general3A_10, %dot_general3A_24 : vector<2000x256xf32>
    %get3A_25 = arith.constant 0 : index
    %get3A_26 = arith.constant 1 : index
    %get3A_27 = arith.constant 0 : index
    %get3A_28 = arith.constant 0 : index
    %get3A_29 = vector.load %arg3[%get3A_25, %get3A_26, %get3A_27, %get3A_28] : memref<1x2x2000x128xf32, #tpu.memory_space<vmem>>, vector<1x1x2000x128xf32>
    %get3A_30 = vector.shape_cast %get3A_29 : vector<1x1x2000x128xf32> to vector<2000x128xf32>
    %neg3A_31 = arith.constant 0.000000e+00 : f32
    %neg3A_32 = vector.broadcast %neg3A_31 : f32 to vector<2000x1xf32>
    %neg3A_33 = arith.subf %neg3A_32, %get3A_6 : vector<2000x1xf32>
    %mul3A_34 = vector.broadcast %neg3A_33 : vector<2000x1xf32> to vector<2000x128xf32>
    %mul3A_35 = arith.mulf %get3A_30, %mul3A_34 : vector<2000x128xf32>
    %get3A_36 = arith.constant 128 : index
    %get3A_37 = arith.constant 0 : index
    %get3A_38 = vector.load %arg7[%get3A_36, %get3A_37] : memref<256x256xf32, #tpu.memory_space<vmem>>, vector<128x256xf32>
    %dot_general3A_39 = arith.constant dense<0.000000e+00> : vector<2000x256xf32>
    %dot_general3A_40 = tpu.matmul %mul3A_35, %get3A_38, %dot_general3A_39 {dimension_numbers = #tpu.dot_dimension_numbers<[1], [0], [0], [1], [0, 0, 1, 1], [], []>, transpose_lhs_hint = false} : vector<2000x128xf32>, vector<128x256xf32>, vector<2000x256xf32> -> vector<2000x256xf32>
    %add3A_41 = arith.addf %add3A, %dot_general3A_40 : vector<2000x256xf32>
    %get3A_42 = arith.constant 0 : index
    %get3A_43 = arith.constant 0 : index
    %get3A_44 = arith.constant 0 : index
    %get3A_45 = arith.constant 0 : index
    %get3A_46 = vector.load %arg4[%get3A_42, %get3A_43, %get3A_44, %get3A_45] : memref<1x2x2000x128xf32, #tpu.memory_space<vmem>>, vector<1x1x2000x128xf32>
    %get3A_47 = vector.shape_cast %get3A_46 : vector<1x1x2000x128xf32> to vector<2000x128xf32>
    %mul3A_48 = arith.constant 2.000000e+00 : f32
    %mul3A_49 = vector.broadcast %mul3A_48 : f32 to vector<2000x1xf32>
    %mul3A_50 = arith.mulf %mul3A_49, %get3A_6 : vector<2000x1xf32>
    %mul3A_51 = vector.broadcast %mul3A_50 : vector<2000x1xf32> to vector<2000x128xf32>
    %mul3A_52 = arith.mulf %get3A_47, %mul3A_51 : vector<2000x128xf32>
    %get3A_53 = arith.constant 0 : index
    %get3A_54 = arith.constant 0 : index
    %get3A_55 = vector.load %arg8[%get3A_53, %get3A_54] : memref<256x256xf32, #tpu.memory_space<vmem>>, vector<128x256xf32>
    %dot_general3A_56 = arith.constant dense<0.000000e+00> : vector<2000x256xf32>
    %dot_general3A_57 = tpu.matmul %mul3A_52, %get3A_55, %dot_general3A_56 {dimension_numbers = #tpu.dot_dimension_numbers<[1], [0], [0], [1], [0, 0, 1, 1], [], []>, transpose_lhs_hint = false} : vector<2000x128xf32>, vector<128x256xf32>, vector<2000x256xf32> -> vector<2000x256xf32>
    %add3A_58 = arith.addf %add3A_41, %dot_general3A_57 : vector<2000x256xf32>
    %get3A_59 = arith.constant 0 : index
    %get3A_60 = arith.constant 1 : index
    %get3A_61 = arith.constant 0 : index
    %get3A_62 = arith.constant 0 : index
    %get3A_63 = vector.load %arg4[%get3A_59, %get3A_60, %get3A_61, %get3A_62] : memref<1x2x2000x128xf32, #tpu.memory_space<vmem>>, vector<1x1x2000x128xf32>
    %get3A_64 = vector.shape_cast %get3A_63 : vector<1x1x2000x128xf32> to vector<2000x128xf32>
    %mul3A_65 = arith.constant 2.000000e+00 : f32
    %mul3A_66 = vector.broadcast %mul3A_65 : f32 to vector<2000x1xf32>
    %mul3A_67 = arith.mulf %mul3A_66, %get3A_6 : vector<2000x1xf32>
    %mul3A_68 = vector.broadcast %mul3A_67 : vector<2000x1xf32> to vector<2000x128xf32>
    %mul3A_69 = arith.mulf %get3A_64, %mul3A_68 : vector<2000x128xf32>
    %get3A_70 = arith.constant 128 : index
    %get3A_71 = arith.constant 0 : index
    %get3A_72 = vector.load %arg8[%get3A_70, %get3A_71] : memref<256x256xf32, #tpu.memory_space<vmem>>, vector<128x256xf32>
    %dot_general3A_73 = arith.constant dense<0.000000e+00> : vector<2000x256xf32>
    %dot_general3A_74 = tpu.matmul %mul3A_69, %get3A_72, %dot_general3A_73 {dimension_numbers = #tpu.dot_dimension_numbers<[1], [0], [0], [1], [0, 0, 1, 1], [], []>, transpose_lhs_hint = false} : vector<2000x128xf32>, vector<128x256xf32>, vector<2000x256xf32> -> vector<2000x256xf32>
    %add3A_75 = arith.addf %add3A_58, %dot_general3A_74 : vector<2000x256xf32>
    %get3A_76 = arith.constant 0 : index
    %get3A_77 = arith.constant 0 : index
    %get3A_78 = vector.load %arg9[%get3A_76, %get3A_77] : memref<1x256xf32, #tpu.memory_space<vmem>>, vector<1x256xf32>
    %add3A_79 = vector.broadcast %get3A_78 : vector<1x256xf32> to vector<2000x256xf32>
    %add3A_80 = arith.addf %add3A_75, %add3A_79 : vector<2000x256xf32>
    %swap3A = arith.constant 0 : index
    %swap3A_81 = arith.constant 0 : index
    %swap3A_82 = arith.constant 0 : index
    %swap3A_83 = vector.load %arg10[%swap3A, %swap3A_81, %swap3A_82] : memref<1x2000x256xf32, #tpu.memory_space<vmem>>, vector<1x2000x256xf32>
    %swap3A_84 = vector.shape_cast %swap3A_83 : vector<1x2000x256xf32> to vector<2000x256xf32>
    %swap3A_85 = vector.shape_cast %add3A_80 : vector<2000x256xf32> to vector<1x2000x256xf32>
    tpu.vector_store %arg10[%swap3A, %swap3A_81, %swap3A_82], %swap3A_85 {strides = array<i32>} : memref<1x2000x256xf32, #tpu.memory_space<vmem>>, vector<1x2000x256xf32>,
    %reduce_sum3A = arith.constant dense<0.000000e+00> : vector<256xf32>
    %reduce_sum3A_86 = vector.multi_reduction <add>, %add3A_80, %reduce_sum3A [0] : vector<2000x256xf32> to vector<256xf32>
    %broadcast_in_dim3A = vector.shape_cast %reduce_sum3A_86 : vector<256xf32> to vector<1x256xf32>
    %mul3A_87 = arith.mulf %add3A_80, %add3A_80 : vector<2000x256xf32>
    %reduce_sum3A_88 = arith.constant dense<0.000000e+00> : vector<256xf32>
    %reduce_sum3A_89 = vector.multi_reduction <add>, %mul3A_87, %reduce_sum3A_88 [0] : vector<2000x256xf32> to vector<256xf32>
    %broadcast_in_dim3A_90 = vector.shape_cast %reduce_sum3A_89 : vector<256xf32> to vector<1x256xf32>
    %eq3A = arith.constant 0 : i32
    %eq3A_91 = arith.cmpi eq, %arg1, %eq3A : i32
    %convert_element_type3A = arith.extui %eq3A_91 : i1 to i32
    %cond3A = arith.constant 0 : i32
    %cond3A_92 = arith.cmpi ne, %convert_element_type3A, %cond3A : i32
    scf.if %cond3A_92 {
      %swap3A_97 = arith.constant 0 : index
      %swap3A_98 = arith.constant 0 : index
      %swap3A_99 = arith.constant 0 : index
      %swap3A_100 = vector.load %arg11[%swap3A_97, %swap3A_98, %swap3A_99] : memref<1x1x256xf32, #tpu.memory_space<vmem>>, vector<1x1x256xf32>
      %swap3A_101 = vector.shape_cast %swap3A_100 : vector<1x1x256xf32> to vector<1x256xf32>
      %swap3A_102 = vector.shape_cast %broadcast_in_dim3A : vector<1x256xf32> to vector<1x1x256xf32>
      tpu.vector_store %arg11[%swap3A_97, %swap3A_98, %swap3A_99], %swap3A_102 {strides = array<i32>} : memref<1x1x256xf32, #tpu.memory_space<vmem>>, vector<1x1x256xf32>,
      %swap3A_103 = arith.constant 0 : index
      %swap3A_104 = arith.constant 0 : index
      %swap3A_105 = arith.constant 0 : index
      %swap3A_106 = vector.load %arg12[%swap3A_103, %swap3A_104, %swap3A_105] : memref<1x1x256xf32, #tpu.memory_space<vmem>>, vector<1x1x256xf32>
      %swap3A_107 = vector.shape_cast %swap3A_106 : vector<1x1x256xf32> to vector<1x256xf32>
      %swap3A_108 = vector.shape_cast %broadcast_in_dim3A_90 : vector<1x256xf32> to vector<1x1x256xf32>
      tpu.vector_store %arg12[%swap3A_103, %swap3A_104, %swap3A_105], %swap3A_108 {strides = array<i32>} : memref<1x1x256xf32, #tpu.memory_space<vmem>>, vector<1x1x256xf32>,
    } else {
    }
    %ne3A = arith.constant 0 : i32
    %ne3A_93 = arith.cmpi ne, %arg1, %ne3A : i32
    %convert_element_type3A_94 = arith.extui %ne3A_93 : i1 to i32
    %cond3A_95 = arith.constant 0 : i32
    %cond3A_96 = arith.cmpi ne, %convert_element_type3A_94, %cond3A_95 : i32
    scf.if %cond3A_96 {
      %get3A_97 = arith.constant 0 : index
      %get3A_98 = arith.constant 0 : index
      %get3A_99 = arith.constant 0 : index
      %get3A_100 = vector.load %arg11[%get3A_97, %get3A_98, %get3A_99] : memref<1x1x256xf32, #tpu.memory_space<vmem>>, vector<1x1x256xf32>
      %get3A_101 = vector.shape_cast %get3A_100 : vector<1x1x256xf32> to vector<1x256xf32>
      %add3A_102 = arith.addf %get3A_101, %broadcast_in_dim3A : vector<1x256xf32>
      %swap3A_103 = arith.constant 0 : index
      %swap3A_104 = arith.constant 0 : index
      %swap3A_105 = arith.constant 0 : index
      %swap3A_106 = vector.load %arg11[%swap3A_103, %swap3A_104, %swap3A_105] : memref<1x1x256xf32, #tpu.memory_space<vmem>>, vector<1x1x256xf32>
      %swap3A_107 = vector.shape_cast %swap3A_106 : vector<1x1x256xf32> to vector<1x256xf32>
      %swap3A_108 = vector.shape_cast %add3A_102 : vector<1x256xf32> to vector<1x1x256xf32>
      tpu.vector_store %arg11[%swap3A_103, %swap3A_104, %swap3A_105], %swap3A_108 {strides = array<i32>} : memref<1x1x256xf32, #tpu.memory_space<vmem>>, vector<1x1x256xf32>,
      %get3A_109 = arith.constant 0 : index
      %get3A_110 = arith.constant 0 : index
      %get3A_111 = arith.constant 0 : index
      %get3A_112 = vector.load %arg12[%get3A_109, %get3A_110, %get3A_111] : memref<1x1x256xf32, #tpu.memory_space<vmem>>, vector<1x1x256xf32>
      %get3A_113 = vector.shape_cast %get3A_112 : vector<1x1x256xf32> to vector<1x256xf32>
      %add3A_114 = arith.addf %get3A_113, %broadcast_in_dim3A_90 : vector<1x256xf32>
      %swap3A_115 = arith.constant 0 : index
      %swap3A_116 = arith.constant 0 : index
      %swap3A_117 = arith.constant 0 : index
      %swap3A_118 = vector.load %arg12[%swap3A_115, %swap3A_116, %swap3A_117] : memref<1x1x256xf32, #tpu.memory_space<vmem>>, vector<1x1x256xf32>
      %swap3A_119 = vector.shape_cast %swap3A_118 : vector<1x1x256xf32> to vector<1x256xf32>
      %swap3A_120 = vector.shape_cast %add3A_114 : vector<1x256xf32> to vector<1x1x256xf32>
      tpu.vector_store %arg12[%swap3A_115, %swap3A_116, %swap3A_117], %swap3A_120 {strides = array<i32>} : memref<1x1x256xf32, #tpu.memory_space<vmem>>, vector<1x1x256xf32>,
    } else {
    }
    return
  }
  func.func @transform_0(%arg0: i32, %arg1: i32) -> (i32, i32, i32) {
    %c0_i32 = arith.constant 0 : i32
    %c0_i32_0 = arith.constant 0 : i32
    return %arg0, %arg1, %c0_i32 : i32, i32, i32
  }
  func.func @transform_1(%arg0: i32, %arg1: i32) -> (i32, i32, i32, i32) {
    %c0_i32 = arith.constant 0 : i32
    %c0_i32_0 = arith.constant 0 : i32
    %c0_i32_1 = arith.constant 0 : i32
    return %arg0, %c0_i32, %arg1, %c0_i32_0 : i32, i32, i32, i32
  }
  func.func @transform_2(%arg0: i32, %arg1: i32) -> (i32, i32, i32, i32) {
    %c0_i32 = arith.constant 0 : i32
    %c0_i32_0 = arith.constant 0 : i32
    %c0_i32_1 = arith.constant 0 : i32
    return %arg0, %c0_i32, %arg1, %c0_i32_0 : i32, i32, i32, i32
  }
  func.func @transform_3(%arg0: i32, %arg1: i32) -> (i32, i32) {
    %c0_i32 = arith.constant 0 : i32
    %c0_i32_0 = arith.constant 0 : i32
    return %arg1, %c0_i32 : i32, i32
  }
  func.func @transform_4(%arg0: i32, %arg1: i32) -> (i32, i32) {
    %c0_i32 = arith.constant 0 : i32
    %c0_i32_0 = arith.constant 0 : i32
    %c0_i32_1 = arith.constant 0 : i32
    return %c0_i32, %c0_i32_0 : i32, i32
  }
  func.func @transform_5(%arg0: i32, %arg1: i32) -> (i32, i32) {
    %c0_i32 = arith.constant 0 : i32
    %c0_i32_0 = arith.constant 0 : i32
    %c0_i32_1 = arith.constant 0 : i32
    return %c0_i32, %c0_i32_0 : i32, i32
  }
  func.func @transform_6(%arg0: i32, %arg1: i32) -> (i32, i32) {
    %c0_i32 = arith.constant 0 : i32
    %c0_i32_0 = arith.constant 0 : i32
    %c0_i32_1 = arith.constant 0 : i32
    return %c0_i32, %c0_i32_0 : i32, i32
  }
  func.func @transform_7(%arg0: i32, %arg1: i32) -> (i32, i32) {
    %c0_i32 = arith.constant 0 : i32
    %c0_i32_0 = arith.constant 0 : i32
    %c0_i32_1 = arith.constant 0 : i32
    return %c0_i32, %c0_i32_0 : i32, i32
  }
  func.func @transform_8(%arg0: i32, %arg1: i32) -> (i32, i32, i32) {
    %c0_i32 = arith.constant 0 : i32
    %c0_i32_0 = arith.constant 0 : i32
    return %arg0, %arg1, %c0_i32 : i32, i32, i32
  }
  func.func @transform_9(%arg0: i32, %arg1: i32) -> (i32, i32, i32) {
    %c0_i32 = arith.constant 0 : i32
    %c0_i32_0 = arith.constant 0 : i32
    %c0_i32_1 = arith.constant 0 : i32
    return %arg0, %c0_i32, %c0_i32_0 : i32, i32, i32
  }
  func.func @transform_10(%arg0: i32, %arg1: i32) -> (i32, i32, i32) {
    %c0_i32 = arith.constant 0 : i32
    %c0_i32_0 = arith.constant 0 : i32
    %c0_i32_1 = arith.constant 0 : i32
    return %arg0, %c0_i32, %c0_i32_0 : i32, i32, i32
  }
}

module attributes {stable_mosaic.version = 14 : i64} {
  func.func @_tc_bn_body(%arg0: i32, %arg1: i32, %arg2: memref<1x2000x256xf32, #tpu.memory_space<vmem>>, %arg3: memref<1x1x256xf32, #tpu.memory_space<vmem>>, %arg4: memref<1x1x256xf32, #tpu.memory_space<vmem>>, %arg5: memref<1x256xf32, #tpu.memory_space<vmem>>, %arg6: memref<1x2000x256xf32, #tpu.memory_space<vmem>>) attributes {dimension_semantics = [#tpu.dimension_semantics<arbitrary>, #tpu.dimension_semantics<arbitrary>], iteration_bounds = array<i64: 8, 5>, scalar_prefetch = 0 : i64, scratch_operands = 0 : i64, tpu.core_type = #tpu.core_type<tc>, window_params = [{transform_indices = @transform_0, window_bounds = array<i64: 1, 2000, 256>}, {transform_indices = @transform_1, window_bounds = array<i64: 1, 1, 256>}, {transform_indices = @transform_2, window_bounds = array<i64: 1, 1, 256>}, {pipeline_mode = #tpu.pipeline_mode<synchronous>, transform_indices = @transform_3, window_bounds = array<i64: 1, 256>}, {transform_indices = @transform_4, window_bounds = array<i64: 1, 2000, 256>}]} {
    %get3A = arith.constant 0 : index
    %get3A_0 = arith.constant 0 : index
    %get3A_1 = arith.constant 0 : index
    %get3A_2 = vector.load %arg2[%get3A, %get3A_0, %get3A_1] : memref<1x2000x256xf32, #tpu.memory_space<vmem>>, vector<1x2000x256xf32>
    %get3A_3 = vector.shape_cast %get3A_2 : vector<1x2000x256xf32> to vector<2000x256xf32>
    %get3A_4 = arith.constant 0 : index
    %get3A_5 = arith.constant 0 : index
    %get3A_6 = arith.constant 0 : index
    %get3A_7 = vector.load %arg3[%get3A_4, %get3A_5, %get3A_6] : memref<1x1x256xf32, #tpu.memory_space<vmem>>, vector<1x1x256xf32>
    %get3A_8 = vector.shape_cast %get3A_7 : vector<1x1x256xf32> to vector<1x256xf32>
    %sub3A = vector.broadcast %get3A_8 : vector<1x256xf32> to vector<2000x256xf32>
    %sub3A_9 = arith.subf %get3A_3, %sub3A : vector<2000x256xf32>
    %get3A_10 = arith.constant 0 : index
    %get3A_11 = arith.constant 0 : index
    %get3A_12 = arith.constant 0 : index
    %get3A_13 = vector.load %arg4[%get3A_10, %get3A_11, %get3A_12] : memref<1x1x256xf32, #tpu.memory_space<vmem>>, vector<1x1x256xf32>
    %get3A_14 = vector.shape_cast %get3A_13 : vector<1x1x256xf32> to vector<1x256xf32>
    %mul3A = vector.broadcast %get3A_14 : vector<1x256xf32> to vector<2000x256xf32>
    %mul3A_15 = arith.mulf %sub3A_9, %mul3A : vector<2000x256xf32>
    %get3A_16 = arith.constant 0 : index
    %get3A_17 = arith.constant 0 : index
    %get3A_18 = vector.load %arg5[%get3A_16, %get3A_17] : memref<1x256xf32, #tpu.memory_space<vmem>>, vector<1x256xf32>
    %add3A = vector.broadcast %get3A_18 : vector<1x256xf32> to vector<2000x256xf32>
    %add3A_19 = arith.addf %mul3A_15, %add3A : vector<2000x256xf32>
    %max3A = arith.constant 0.000000e+00 : f32
    %max3A_20 = vector.broadcast %max3A : f32 to vector<2000x256xf32>
    %max3A_21 = arith.maximumf %add3A_19, %max3A_20 : vector<2000x256xf32>
    %swap3A = arith.constant 0 : index
    %swap3A_22 = arith.constant 0 : index
    %swap3A_23 = arith.constant 0 : index
    %swap3A_24 = vector.load %arg6[%swap3A, %swap3A_22, %swap3A_23] : memref<1x2000x256xf32, #tpu.memory_space<vmem>>, vector<1x2000x256xf32>
    %swap3A_25 = vector.shape_cast %swap3A_24 : vector<1x2000x256xf32> to vector<2000x256xf32>
    %swap3A_26 = vector.shape_cast %max3A_21 : vector<2000x256xf32> to vector<1x2000x256xf32>
    tpu.vector_store %arg6[%swap3A, %swap3A_22, %swap3A_23], %swap3A_26 {strides = array<i32>} : memref<1x2000x256xf32, #tpu.memory_space<vmem>>, vector<1x2000x256xf32>,
    return
  }
  func.func @transform_0(%arg0: i32, %arg1: i32) -> (i32, i32, i32) {
    %c0_i32 = arith.constant 0 : i32
    %c0_i32_0 = arith.constant 0 : i32
    return %arg0, %arg1, %c0_i32 : i32, i32, i32
  }
  func.func @transform_1(%arg0: i32, %arg1: i32) -> (i32, i32, i32) {
    %c0_i32 = arith.constant 0 : i32
    %c0_i32_0 = arith.constant 0 : i32
    %c0_i32_1 = arith.constant 0 : i32
    return %arg0, %c0_i32, %c0_i32_0 : i32, i32, i32
  }
  func.func @transform_2(%arg0: i32, %arg1: i32) -> (i32, i32, i32) {
    %c0_i32 = arith.constant 0 : i32
    %c0_i32_0 = arith.constant 0 : i32
    %c0_i32_1 = arith.constant 0 : i32
    return %arg0, %c0_i32, %c0_i32_0 : i32, i32, i32
  }
  func.func @transform_3(%arg0: i32, %arg1: i32) -> (i32, i32) {
    %c0_i32 = arith.constant 0 : i32
    %c0_i32_0 = arith.constant 0 : i32
    %c0_i32_1 = arith.constant 0 : i32
    return %c0_i32, %c0_i32_0 : i32, i32
  }
  func.func @transform_4(%arg0: i32, %arg1: i32) -> (i32, i32, i32) {
    %c0_i32 = arith.constant 0 : i32
    %c0_i32_0 = arith.constant 0 : i32
    return %arg0, %arg1, %c0_i32 : i32, i32, i32
  }
}

</mosaic_0001>

<sc_bundles>
// kernel: kernel.6.cloned.1.call-start
scs
__scs_entry_jumppad:
0x0: {  	(pc) =	sbr.rel $0x88, $3  }
0x1: {  	(tag) =	ssettag $0x0;
	lr =	simm.s32 $0x1  }
0x2: {  	[smem:$0x3F9B] =	sst lr;
	_ =	strace $0xD0000000  }
0x3: {  	_ = 	snop  }
0x4: {  	_ = 	snop  }
0x5: {  	_ = 	snop  }
0x6: {  	_ = 	snop  }
0x7: {  	_ = 	snop  }
__scs_overlays_trampoline_lowered:
0x8: {  	[smem:$0x3FAA] =	sst s0  }
0x9: {  	[smem:$0x3FAB] =	sst s1  }
0xa: {  	[smem:$0x3FAC] =	sst s2  }
0xb: {  	[smem:$0x3FAD] =	sst s3  }
0xc: {  	[smem:$0x3FAE] =	sst s4  }
0xd: {  	[smem:$0x3FAF] =	sst s5  }
0xe: {  	[smem:$0x3FB0] =	sst s6  }
0xf: {  	[smem:$0x3FB1] =	sst s7  }
0x10: {  	[smem:$0x3FB2] =	sst s8  }
0x11: {  	[smem:$0x3FB3] =	sst s9;
	s0 =	simm.s32 @!p0 $0x0  }
0x12: {  	s1 =	sld [smem:$0x3F99];
	s0 =	simm.s32 @p0 $0x1  }
0x13: {  	[smem:$0x3FB4] =	sst s0;
	s0 =	simm.s32 @!p1 $0x0  }
0x14: {  	s2 =	sld [smem:$0x3F98];
	s0 =	simm.s32 @p1 $0x1  }
0x15: {  	[smem:$0x3FB5] =	sst s0;
	s0 =	simm.s32 @!p2 $0x0  }
0x16: {  	s3 =	sld [smem:$0x3FDB];
	s0 =	simm.s32 @p2 $0x1  }
0x17: {  	s4 =	simm.s32 $0x1BF5;
	[smem:$0x3FB7] =	sst s0  }
0x18: {  	s0 =	sld [smem:$0x3F9A];
	_ =	swait.ge [sflag:s4], $0x0  }
0x19: {  	s7 =	sld [smem:$0x3F9B]  }
0x1a: {  	s8 =	sadd.s32 $0xFFFFE003, lr  }
0x1b: {  	s9 =	sadd.s32 $0xFFFFFEF7, lr;
	s5 =	simm.s32 $0xFFFFFFFF;
	p2 =	slt.u32 s8, $0xFFFFF086  }
0x1c: {  	p1 =	slt.u32 s9, $0xF7A;
	s5 =	simm.s32 @!p2 $0x0  }
0x1d: {  	s5 =	simm.s32 @p1 $0x1;
	p0 =	seq.s32 s7, s2  }
0x1e: {  	s7 =	smul.u32 @!p0 $0xF7A, s2;
	p2 =	seq.s32 @!p0 s5, $0x0  }
0x1f: {  	s9 =	smul.u32 $0xF7A, s1;
	s8 =	simm.s32 @!p0 $0x1BF5;
	p2 =	por !p2, p0  }
0x20: {  	[sflag:s8] =	ssyncset.s32 @!p0 $0xFFFFF086;
	s6 =	sadd.s32 @!p0 s3, s7;
	s7 =	simm.s32 @!p0 $0x108  }
0x21: {  	s3 =	sadd.s32 s3, s9;
	s6 =	sadd.s32 @!p0 $0x88, s6;
	s7 =	simm.s32 @p2 $0x1082  }
0x22: {  	[simem:s7], [sflag:s8] =	dma.local @!p0 [hbm:s6], $0xF7A  }
0x23: {  	s9 =	sor.u32 $0xD0000000, s2;
	s6 =	simm.s32 $0x108;
	_ =	swait.ge @!p0 [sflag:s8], $0x0  }
0x24: {  	s3 =	sadd.s32 $0x88, s3;
	s6 =	simm.s32 @!p1 $0x1082;
	[sflag:s4] =	ssyncset.s32 $0xFFFFF086  }
0x25: {  	[simem:s6], [sflag:s4] =	dma.local [hbm:s3], $0xF7A  }
0x26: {  	[smem:$0x3F9B] =	sst s1;
	(tag) =	ssettag s2;
	_ =	strace s9  }
0x27: {  	s1 =	sld [smem:$0x3FAB]  }
0x28: {  	s2 =	sld [smem:$0x3FAC]  }
0x29: {  	s4 =	sld [smem:$0x3FAE]  }
0x2a: {  	p0 =	seq.s32 s5, $0x0;
	s5 =	sld [smem:$0x3FAF]  }
0x2b: {  	s6 =	sld [smem:$0x3FB0]  }
0x2c: {  	s7 =	sld [smem:$0x3FB1]  }
0x2d: {  	s3 =	simm.s32 $0x108;
	s8 =	sld [smem:$0x3FB2]  }
0x2e: {  	s3 =	simm.s32 @!p0 $0x1082;
	s9 =	sld [smem:$0x3FB3]  }
0x2f: {  	lr =	sadd.s32 s0, s3;
	s0 =	sld [smem:$0x3FAA]  }
0x30: {  	s3 =	sld [smem:$0x3FAD]  }
0x31: {  	[smem:$0x3FB6] =	sst s10  }
0x32: {  	s10 =	sld [smem:$0x3FB4];
	_ =	sdelay $0x3  }
0x33: {  	p0 =	seq.s32 s10, $0x1;
	s10 =	sld [smem:$0x3FB6];
	_ =	sdelay $0x3  }
0x34: {  	[smem:$0x3FB6] =	sst s10  }
0x35: {  	s10 =	sld [smem:$0x3FB5];
	_ =	sdelay $0x3  }
0x36: {  	p1 =	seq.s32 s10, $0x1;
	s10 =	sld [smem:$0x3FB6];
	_ =	sdelay $0x3  }
0x37: {  	[smem:$0x3FB6] =	sst s10  }
0x38: {  	s10 =	sld [smem:$0x3FB7]  }
0x39: {  	_ = 	snop;
	(pc) =	sbr.ind lr, $3  }
0x3a: {  	_ = 	snop  }
0x3b: {  	_ = 	snop  }
0x3c: {  	p2 =	seq.s32 s10, $0x1;
	s10 =	sld [smem:$0x3FB6]  }
0x3d: {  	_ =	shalt  }
0x3e: {  	_ =	shalt  }
0x3f: {  	_ =	shalt  }
0x40: {  	_ =	shalt  }
0x41: {  	_ =	shalt  }
0x42: {  	_ =	shalt  }
0x43: {  	_ =	shalt  }
0x44: {  	_ =	shalt  }
0x45: {  	_ =	shalt  }
0x46: {  	_ =	shalt  }
0x47: {  	_ =	shalt  }
0x48: {  	_ =	shalt  }
0x49: {  	_ =	shalt  }
0x4a: {  	_ =	shalt  }
0x4b: {  	_ =	shalt  }
0x4c: {  	_ =	shalt  }
0x4d: {  	_ =	shalt  }
0x4e: {  	_ =	shalt  }
0x4f: {  	_ =	shalt  }
0x50: {  	_ =	shalt  }
0x51: {  	_ =	shalt  }
0x52: {  	_ =	shalt  }
0x53: {  	_ =	shalt  }
0x54: {  	_ =	shalt  }
0x55: {  	_ =	shalt  }
0x56: {  	_ =	shalt  }
0x57: {  	_ =	shalt  }
0x58: {  	_ =	shalt  }
0x59: {  	_ =	shalt  }
0x5a: {  	_ =	shalt  }
0x5b: {  	_ =	shalt  }
0x5c: {  	_ =	shalt  }
0x5d: {  	_ =	shalt  }
0x5e: {  	_ =	shalt  }
0x5f: {  	_ =	shalt  }
0x60: {  	_ =	shalt  }
0x61: {  	_ =	shalt  }
0x62: {  	_ =	shalt  }
0x63: {  	_ =	shalt  }
0x64: {  	_ =	shalt  }
0x65: {  	_ =	shalt  }
0x66: {  	_ =	shalt  }
0x67: {  	_ =	shalt  }
0x68: {  	_ =	shalt  }
0x69: {  	_ =	shalt  }
0x6a: {  	_ =	shalt  }
0x6b: {  	_ =	shalt  }
0x6c: {  	_ =	shalt  }
0x6d: {  	_ =	shalt  }
0x6e: {  	_ =	shalt  }
0x6f: {  	_ =	shalt  }
0x70: {  	_ =	shalt  }
0x71: {  	_ =	shalt  }
0x72: {  	_ =	shalt  }
0x73: {  	_ =	shalt  }
0x74: {  	_ =	shalt  }
0x75: {  	_ =	shalt  }
0x76: {  	_ =	shalt  }
0x77: {  	_ =	shalt  }
0x78: {  	_ =	shalt  }
0x79: {  	_ =	shalt  }
0x7a: {  	_ =	shalt  }
0x7b: {  	_ =	shalt  }
0x7c: {  	_ =	shalt  }
0x7d: {  	_ =	shalt  }
0x7e: {  	_ =	shalt  }
0x7f: {  	_ =	shalt  }
0x80: {  	_ =	shalt  }
0x81: {  	_ =	shalt  }
0x82: {  	_ =	shalt  }
0x83: {  	_ =	shalt  }
0x84: {  	_ =	shalt  }
0x85: {  	_ =	shalt  }
0x86: {  	_ =	shalt  }
0x87: {  	_ =	shalt  }
.Lfunc_end0:
.L_simem_size_0:
called_computation.1_lowered:
.L_overlay_start_0:
0x88: {  	s2 =	sld [smem:$0x3FD9]  }
0x89: {  	s3 =	sld [smem:$0x3FFE];
	_ =	sdelay $0x1  }
0x8a: {  	s1 =	srdreg.scid  }
0x8b: {  	s0 =	sand.u32 $0x1, s1  }
0x8c: {  	s16 =	sshll.u32 s0, $0xA;
	s2 =	sadd.s32 s3, s2  }
0x8d: {  	s2 =	sadd.s32 s2, s16  }
0x8e: {  	[smem:$0x3FC2] =	sst s2  }
0x8f: {  	_ = 	snop  }
0x90: {  	(tm) =	ssettm $0x1  }
0x91: {  	s17 =	sld [smem:$0x3FFB];
	_ =	sdelay $0x3  }
0x92: {  	_ =	strace s17  }
0x93: {  	s2 =	sld [smem:$0x3FFC];
	_ =	sdelay $0x3  }
0x94: {  	_ =	strace s2  }
0x95: {  	s2 =	sld [smem:$0x3FFD];
	_ =	sdelay $0x3  }
0x96: {  	_ =	strace s2  }
0x97: {  	_ =	strace $0x8FFFFFFF  }
0x98: {  	s18 =	sld [smem:$0x3FDB];
	_ =	sdelay $0x1  }
0x99: {  	s19 =	simm.s32 $_scs_section_size  }
0x9a: {  	s4 =	simm.s32 $_size__tile_overlayer_lowered;
	s5 =	simm.s32 $_tile_overlayer_lowered  }
0x9b: {  	s22 =	simm.s32 $0x1BFF;
	s21 =	sshll.u32 s5, $0x1;
	s2 =	sadd.s32 s19, s18  }
0x9c: {  	s6 =	simm.s32 $0x0;
	s20 =	sshll.u32 s4, $0x1;
	s4 =	sadd.s32 s21, s2  }
0x9d: {  	[timem:s6], [sflag:s22] =	dma.local [hbm:s4], s20  }
0x9e: {  	_ =	swait.ge [sflag:s22], s20  }
0x9f: {  	s3 =	ssub.s32 $0x0, s20;
	[sflag:s22] =	ssyncset.done $0x0  }
0xa0: {  	[sflag:s22] =	ssyncadd.s32 s3;
	_ =	sdelay $0x1  }
0xa1: {  	s23 =	simm.s32 $0x1B8B  }
0xa2: {  	_ =	swait.ge [sflag:s23], $0x1  }
0xa3: {  	[sflag:s23] =	ssyncset.done $0x0  }
0xa4: {  	s25 =	simm.s32 $0x1B8E;
	s24 =	sld [smem:$0x3FFE];
	[sflag:s23] =	ssyncadd.s32 $0xFFFFFFFF  }
0xa5: {  	s26 =	simm.s32 $execute0_lowered;
	[smem:$0x3FD2] =	sst s25  }
0xa6: {  	s4 =	sshll.u32 s26, $0x1;
	_ =	strace $0x80000049;
	[dreg:$0x1] =	wrdreg $0xFFFFFFFF  }
0xa7: {  	s28 =	simm.s32 $_size_execute0_lowered;
	s2 =	sadd.s32 s2, s4;
	[dreg:$0x0] =	wrdreg $0x0  }
0xa8: {  	s4 =	sshll.u32 s28, $0x1;
	[dreg:$0x2] =	wrdreg s2  }
0xa9: {  	[dreg:$0x3] =	wrdreg s4  }
0xaa: {  	[dreg:$0x4] =	wrdreg $0xC0  }
0xab: {  	_ =	task [dreg:s6], $0x5FFFF  }
0xac: {  	[dreg:$0x1] =	wrdreg $0xFFFFFFFF  }
0xad: {  	[dreg:$0x0] =	wrdreg $0x60  }
0xae: {  	[dreg:$0x2] =	wrdreg s24  }
0xaf: {  	[dreg:$0x3] =	wrdreg $0x92000  }
0xb0: {  	[dreg:$0x4] =	wrdreg $0x9  }
0xb1: {  	_ =	task.clear_ibuf [dreg:s6], $0x5FFFF;
	_ =	strace $0x90000049  }
0xb2: {  	s29 =	simm.s32 $0x9;
	_ =	strace $0x8000004B  }
0xb3: {  	_ =	swait.ge [sflag:s29], $0x1  }
0xb4: {  	[sflag:s29] =	ssyncadd.s32 $0xFFFFFFFF  }
0xb5: {  	_ =	strace $0x9000004B  }
0xb6: {  	_ =	sfence  }
0xb7: {  	s30 =	sld [smem:$0x0];
	_ =	sdelay $0x2  }
0xb8: {  	s31 =	sshll.u32 s1, $0xD;
	s1 =	sshrl.u32 s1, $0x2  }
0xb9: {  	s3 =	sand.u32 $0x4000, s31;
	s1 =	sadd.s32 s1, s30  }
0xba: {  	s0 =	sor.u32 s3, s0;
	s1 =	sshll.u32 s1, $0x11  }
0xbb: {  	s0 =	sor.u32 s1, s0  }
0xbc: {  	s0 =	sadd.s32 $0x8F2B, s0  }
0xbd: {  	[sflag:s0] =	ssyncadd.remote.s32 $0x1  }
0xbe: {  	_ =	sfence.sel $0xFFFF  }
0xbf: {  	[dreg:$0x0] =	wrdreg $0xFFFFFFFF;
	(pc) =	sbr.abs _section_cstart, $3  }
0xc0: {  	[dreg:$0x1] =	wrdreg $0xFFFFFFFF  }
0xc1: {  	_ =	task.clear_ibuf [dreg:s6], $0x2FFFF;
	_ =	strace $0x9FFFFFFF  }
0xc2: {  	(tm) =	ssettm $0x7FFFFFFF  }
0xc3: {  	_ =	shalt  }
tec
execute0_lowered:
.L_overlay_start_1:
0x0: {  	(tag) =	ssettag $0x1  }
0x1: {  	s0 =	rddreg [dreg:$0x0]  }
0x2: {  	s1 =	rddreg [dreg:$0x1];
	s3 =	simm.s32 $0x0  }
0x3: {  	s2 =	stileid.u32;
	s6 =	srdreg.scid;
	s19 =	simm.s32 $0x5200  }
0x4: {  	s20 =	simm.s32 $0x3;
	s21 =	simm.s32 $0x100;
	s22 =	simm.s32 $0x50  }
0x5: {  	s23 =	simm.s32 $0x200;
	s24 =	simm.s32 $0x80;
	s25 =	simm.s32 $0x180  }
0x6: {  	s26 =	simm.s32 $0x2A00;
	s28 =	simm.s32 $0x1;
	s29 =	simm.s32 $0x2  }
0x7: {  	[smem:$0x7FF] =	sst s3;
	s4 =	sadd.s32 $0x27C200, s0;
	s8 =	smul.u32 $0x50000, s2  }
0x8: {  	s5 =	sadd.s32 $0x5600, s0;
	s16 =	sadd.s32 $0x600, s0;
	s12 =	smul.u32 $0x2710, s2  }
0x9: {  	s7 =	sadd.s32 $0xB200, s0;
	s6 =	sand.u32 $0x1, s6;
	s18 =	smul.u32 $0x4E2, s2  }
0xa: {  	_ =	strace $0x8000004A;
	[dreg:$0x3] =	wrdreg s7;
	s31 =	ssub.s32 $0x2, s6  }
0xb: {  	s7 =	sadd.s32 $0x4FC200, s0;
	s8 =	sshrl.u32 s8, $0x2;
	s9 =	sshrl.u32 s31, $0x1  }
0xc: {  	s15 =	sshrl.u32 s12, $0x3;
	s17 =	sadd.s32 s18, s16;
	s18 =	sadd.s32 s18, s5  }
0xd: {  	s8 =	sadd.s32 s8, s1;
	s0 =	ssub.s32 s31, s9;
	s9 =	smul.u32 $0x280, s2  }
0xe: {  	s14 =	sadd.s32 s5, s15;
	s15 =	sadd.s32 s16, s15;
	s2 =	simm.s32 $0x0  }
0xf: {  	s10 =	sadd.s32 $0x4000, s8;
	s11 =	sadd.s32 $0x8000, s8;
	s0 =	smax.u32 s0, $0x1  }
0x10: {  	s12 =	sadd.s32 $0xC000, s8;
	s13 =	sadd.s32 $0x10000, s8;
	[dreg:$0x4] =	wrdreg s0  }
.LBB2_1:
0x11: {  	[dreg:$0x5] =	wrdreg s2  }
0x12: {  	s0 =	rddreg [dreg:$0x3]  }
0x13: {  	[tilespmem:s19], [sflag:$0x3] =	stream.linear.gather [hbm4b:s0+s3], $0x4000, $0x38;
	[tilespmem:$0x1D200] =	vst v63  }
0x14: {  	_ =	swait.ge [sflag:s20], $0x4000  }
0x15: {  	[sflag:s20] =	ssyncset.done $0x0  }
0x16: {  	s31 =	simm.s32 $0x0;
	[sflag:s20] =	ssyncadd.s32 $0xFFFFC000  }
.LBB2_2:
0x17: {  	[spmem:s8] =	stream.linear.scatter [tilespmem:s19], [sflag:$0x3], $0x4000, $0x38;
	[tilespmem:$0x1D200] =	vst v63  }
0x18: {  	_ =	swait.ge [sflag:s20], $0x4000  }
0x19: {  	[sflag:s20] =	ssyncset.done $0x0  }
0x1a: {  	[sflag:s20] =	ssyncadd.s32 $0xFFFFC000  }
0x1b: {  	[spmem:s10] =	stream.linear.scatter [tilespmem:s19], [sflag:$0x3], $0x4000, $0x38;
	[tilespmem:$0x1D200] =	vst v63  }
0x1c: {  	_ =	swait.ge [sflag:s20], $0x4000  }
0x1d: {  	[sflag:s20] =	ssyncset.done $0x0  }
0x1e: {  	[sflag:s20] =	ssyncadd.s32 $0xFFFFC000  }
0x1f: {  	[spmem:s11] =	stream.linear.scatter [tilespmem:s19], [sflag:$0x3], $0x4000, $0x38;
	[tilespmem:$0x1D200] =	vst v63  }
0x20: {  	_ =	swait.ge [sflag:s20], $0x4000  }
0x21: {  	[sflag:s20] =	ssyncset.done $0x0  }
0x22: {  	[sflag:s20] =	ssyncadd.s32 $0xFFFFC000  }
0x23: {  	[spmem:s12] =	stream.linear.scatter [tilespmem:s19], [sflag:$0x3], $0x4000, $0x38;
	[tilespmem:$0x1D200] =	vst v63  }
0x24: {  	_ =	swait.ge [sflag:s20], $0x4000  }
0x25: {  	[sflag:s20] =	ssyncset.done $0x0  }
0x26: {  	[sflag:s20] =	ssyncadd.s32 $0xFFFFC000  }
0x27: {  	[spmem:s13] =	stream.linear.scatter [tilespmem:s19], [sflag:$0x3], $0x4000, $0x38;
	[tilespmem:$0x1D200] =	vst v63  }
0x28: {  	_ =	swait.ge [sflag:s20], $0x4000  }
0x29: {  	[sflag:s20] =	ssyncset.done $0x0  }
0x2a: {  	[sflag:s20] =	ssyncadd.s32 $0xFFFFC000  }
0x2b: {  	[bflag:$0x0] =	sbarrier.arrive $0xFFFF  }
0x2c: {  	[tilespmem:s3], [sflag:$0x3] =	stream.linear.gather [hbm4b:s14+s3], $0x50, $0x38;
	[tilespmem:$0x1D200] =	vst v63  }
0x2d: {  	_ =	swait.ge [sflag:s20], $0x50  }
0x2e: {  	[sflag:s20] =	ssyncset.done $0x0  }
0x2f: {  	[sflag:s20] =	ssyncadd.s32 $0xFFFFFFB0  }
0x30: {  	[tilespmem:s21], [sflag:$0x3] =	stream.linear.gather [hbm4b:s15+s3], $0x50, $0x38;
	[tilespmem:$0x1D200] =	vst v63  }
0x31: {  	_ =	swait.ge [sflag:s20], $0x50  }
0x32: {  	[sflag:s20] =	ssyncset.done $0x0  }
0x33: {  	[sflag:s20] =	ssyncadd.s32 $0xFFFFFFB0  }
0x34: {  	v0 =	vld [tilespmem:$0x0]  }
0x35: {  	s0 =	sshll.u32 s31, $0x1;
	v1 =	vld [tilespmem:$0x10]  }
0x36: {  	s0 =	sor.u32 s6, s0;
	v2 =	vld [tilespmem:$0x20]  }
0x37: {  	s0 =	smul.u32 $0x2800, s0;
	v3 =	vld [tilespmem:$0x30]  }
0x38: {  	v4 =	vld [tilespmem:$0x40]  }
0x39: {  	v0 =	vadd.s32 s0, v0  }
0x3a: {  	[tilespmem:$0x0] =	vst v0;
	v0 =	vadd.s32 s0, v1  }
0x3b: {  	[tilespmem:$0x10] =	vst v0;
	v0 =	vadd.s32 s0, v2  }
0x3c: {  	[tilespmem:$0x20] =	vst v0;
	v0 =	vadd.s32 s0, v3  }
0x3d: {  	[tilespmem:$0x30] =	vst v0;
	v0 =	vadd.s32 s0, v4  }
0x3e: {  	s5 =	sadd.s32 $0xFFFFFB28, s18;
	[tilespmem:$0x40] =	vst v0  }
0x3f: {  	[tilespmem:s23], [sflag:$0x1] =	stream.indirect.gather [hbm4b:s4+s22], $0x80, s3, s22, $0xb8;
	[tilespmem:$0x1D200] =	vst v63  }
0x40: {  	s16 =	sadd.s32 $0x4E2, s5  }
0x41: {  	[tilespmem:s24], [sflag:$0x3] =	stream.linear.gather [hbm4b:s16+s3], $0x50, $0x38;
	[tilespmem:$0x1D200] =	vst v63  }
0x42: {  	_ =	swait.ge [sflag:s20], $0x50  }
0x43: {  	s2 =	sadd.s32 $0xFFFFFB28, s17;
	[sflag:s20] =	ssyncset.done $0x0  }
0x44: {  	s30 =	sadd.s32 $0x4E2, s2;
	[sflag:s20] =	ssyncadd.s32 $0xFFFFFFB0  }
0x45: {  	[tilespmem:s25], [sflag:$0x3] =	stream.linear.gather [hbm4b:s30+s3], $0x50, $0x38;
	[tilespmem:$0x1D200] =	vst v63  }
0x46: {  	_ =	swait.ge [sflag:s20], $0x50  }
0x47: {  	[sflag:s20] =	ssyncset.done $0x0  }
0x48: {  	[sflag:s20] =	ssyncadd.s32 $0xFFFFFFB0  }
0x49: {  	v1 =	vld [tilespmem:$0xC0]  }
0x4a: {  	v2 =	vld [tilespmem:$0xA0]  }
0x4b: {  	v3 =	vld [tilespmem:$0x90]  }
0x4c: {  	v61 =	vld [tilespmem:$0x80]  }
0x4d: {  	v0 =	vmov s0;
	v5 =	vld [tilespmem:$0xB0]  }
0x4e: {  	v1 =	vadd.s32 v0, v1  }
0x4f: {  	v2 =	vadd.s32 v0, v2;
	[tilespmem:$0xC0] =	vst v1  }
0x50: {  	v1 =	vadd.s32 v0, v3;
	[tilespmem:$0xA0] =	vst v2  }
0x51: {  	v2 =	vadd.s32 v0, v61;
	[tilespmem:$0x90] =	vst v1  }
0x52: {  	[tilespmem:$0x80] =	vst v2;
	v1 =	vadd.s32 v0, v5  }
0x53: {  	[tilespmem:$0xB0] =	vst v1  }
0x54: {  	[tilespmem:s26], [sflag:$0x2] =	stream.indirect.gather [hbm4b:s4+s22], $0x80, s24, s22, $0xb8;
	[tilespmem:$0x1D200] =	vst v63  }
0x55: {  	_ =	swait.ge [sflag:s28], $0x2800  }
0x56: {  	[sflag:s28] =	ssyncset.done $0x0  }
0x57: {  	[sflag:s28] =	ssyncadd.s32 $0xFFFFD800  }
0x58: {  	[spmem:s1] =	stream.indirect.scatter.add.f32 [tilespmem:s23], [sflag:$0x3], $0x80, s21, s22, $0xb8;
	[tilespmem:$0x1D200] =	vst v63  }
0x59: {  	_ =	swait.ge [sflag:s20], $0x2800  }
0x5a: {  	[sflag:s20] =	ssyncset.done $0x0  }
0x5b: {  	s5 =	sadd.s32 $0x4EC, s5;
	[sflag:s20] =	ssyncadd.s32 $0xFFFFD800  }
0x5c: {  	[tilespmem:s3], [sflag:$0x3] =	stream.linear.gather [hbm4b:s5+s3], $0x50, $0x38;
	[tilespmem:$0x1D200] =	vst v63  }
0x5d: {  	_ =	swait.ge [sflag:s20], $0x50  }
0x5e: {  	[sflag:s20] =	ssyncset.done $0x0  }
0x5f: {  	s30 =	sadd.s32 $0x4EC, s2;
	[sflag:s20] =	ssyncadd.s32 $0xFFFFFFB0  }
0x60: {  	[tilespmem:s21], [sflag:$0x3] =	stream.linear.gather [hbm4b:s30+s3], $0x50, $0x38;
	[tilespmem:$0x1D200] =	vst v63  }
0x61: {  	_ =	swait.ge [sflag:s20], $0x50  }
0x62: {  	[sflag:s20] =	ssyncset.done $0x0  }
0x63: {  	[sflag:s20] =	ssyncadd.s32 $0xFFFFFFB0  }
0x64: {  	v1 =	vld [tilespmem:$0x40]  }
0x65: {  	v2 =	vld [tilespmem:$0x30]  }
0x66: {  	v3 =	vld [tilespmem:$0x10]  }
0x67: {  	v62 =	vld [tilespmem:$0x0]  }
0x68: {  	v63 =	vld [tilespmem:$0x20]  }
0x69: {  	v1 =	vadd.s32 v0, v1  }
0x6a: {  	v2 =	vadd.s32 v0, v2;
	[tilespmem:$0x40] =	vst v1  }
0x6b: {  	v1 =	vadd.s32 v0, v3;
	[tilespmem:$0x30] =	vst v2  }
0x6c: {  	v2 =	vadd.s32 v0, v62;
	[tilespmem:$0x10] =	vst v1  }
0x6d: {  	s5 =	simm.s32 $0xFFFFFB3C;
	[tilespmem:$0x0] =	vst v2;
	v1 =	vadd.s32 v0, v63  }
.LBB2_3:
0x6e: {  	p0 =	sne.s32 s5, $0xFFFFFFEC;
	[tilespmem:$0x20] =	vst v1;
	s30 =	smov.u32 s5;
	s5 =	sadd.s32 $0x14, s5  }
0x6f: {  	[tilespmem:s23], [sflag:$0x1] =	stream.indirect.gather [hbm4b:s4+s22], $0x80, s3, s22, $0xb8;
	[tilespmem:$0x1D200] =	vst v63  }
0x70: {  	_ =	swait.ge [sflag:s29], $0x2800  }
0x71: {  	[sflag:s29] =	ssyncset.done $0x0  }
0x72: {  	[sflag:s29] =	ssyncadd.s32 $0xFFFFD800  }
0x73: {  	[spmem:s1] =	stream.indirect.scatter.add.f32 [tilespmem:s26], [sflag:$0x3], $0x80, s25, s22, $0xb8;
	[tilespmem:$0x1D200] =	vst v63  }
0x74: {  	_ =	swait.ge [sflag:s20], $0x2800  }
0x75: {  	s16 =	sadd.s32 s30, s18;
	[sflag:s20] =	ssyncset.done $0x0  }
0x76: {  	s2 =	sadd.s32 $0x4E2, s16;
	[sflag:s20] =	ssyncadd.s32 $0xFFFFD800  }
0x77: {  	[tilespmem:s24], [sflag:$0x3] =	stream.linear.gather [hbm4b:s2+s3], $0x50, $0x38;
	[tilespmem:$0x1D200] =	vst v63  }
0x78: {  	_ =	swait.ge [sflag:s20], $0x50  }
0x79: {  	s30 =	sadd.s32 s30, s17;
	[sflag:s20] =	ssyncset.done $0x0  }
0x7a: {  	s2 =	sadd.s32 $0x4E2, s30;
	[sflag:s20] =	ssyncadd.s32 $0xFFFFFFB0  }
0x7b: {  	[tilespmem:s25], [sflag:$0x3] =	stream.linear.gather [hbm4b:s2+s3], $0x50, $0x38;
	[tilespmem:$0x1D200] =	vst v63  }
0x7c: {  	_ =	swait.ge [sflag:s20], $0x50  }
0x7d: {  	[sflag:s20] =	ssyncset.done $0x0  }
0x7e: {  	[sflag:s20] =	ssyncadd.s32 $0xFFFFFFB0  }
0x7f: {  	v1 =	vld [tilespmem:$0xC0]  }
0x80: {  	v2 =	vld [tilespmem:$0xA0]  }
0x81: {  	v3 =	vld [tilespmem:$0x90]  }
0x82: {  	v4 =	vld [tilespmem:$0x80]  }
0x83: {  	v5 =	vld [tilespmem:$0xB0]  }
0x84: {  	v1 =	vadd.s32 v0, v1  }
0x85: {  	v2 =	vadd.s32 v0, v2;
	[tilespmem:$0xC0] =	vst v1  }
0x86: {  	v1 =	vadd.s32 v0, v3;
	[tilespmem:$0xA0] =	vst v2  }
0x87: {  	v2 =	vadd.s32 v0, v4;
	[tilespmem:$0x90] =	vst v1  }
0x88: {  	[tilespmem:$0x80] =	vst v2;
	v1 =	vadd.s32 v0, v5  }
0x89: {  	[tilespmem:$0xB0] =	vst v1  }
0x8a: {  	[tilespmem:s26], [sflag:$0x2] =	stream.indirect.gather [hbm4b:s4+s22], $0x80, s24, s22, $0xb8;
	[tilespmem:$0x1D200] =	vst v63  }
0x8b: {  	_ =	swait.ge [sflag:s28], $0x2800  }
0x8c: {  	[sflag:s28] =	ssyncset.done $0x0  }
0x8d: {  	[sflag:s28] =	ssyncadd.s32 $0xFFFFD800  }
0x8e: {  	[spmem:s1] =	stream.indirect.scatter.add.f32 [tilespmem:s23], [sflag:$0x3], $0x80, s21, s22, $0xb8;
	[tilespmem:$0x1D200] =	vst v63  }
0x8f: {  	_ =	swait.ge [sflag:s20], $0x2800  }
0x90: {  	[sflag:s20] =	ssyncset.done $0x0  }
0x91: {  	s2 =	sadd.s32 $0x4EC, s16;
	[sflag:s20] =	ssyncadd.s32 $0xFFFFD800  }
0x92: {  	[tilespmem:s3], [sflag:$0x3] =	stream.linear.gather [hbm4b:s2+s3], $0x50, $0x38;
	[tilespmem:$0x1D200] =	vst v63  }
0x93: {  	_ =	swait.ge [sflag:s20], $0x50  }
0x94: {  	[sflag:s20] =	ssyncset.done $0x0  }
0x95: {  	s2 =	sadd.s32 $0x4EC, s30;
	[sflag:s20] =	ssyncadd.s32 $0xFFFFFFB0  }
0x96: {  	[tilespmem:s21], [sflag:$0x3] =	stream.linear.gather [hbm4b:s2+s3], $0x50, $0x38;
	[tilespmem:$0x1D200] =	vst v63  }
0x97: {  	_ =	swait.ge [sflag:s20], $0x50  }
0x98: {  	[sflag:s20] =	ssyncset.done $0x0  }
0x99: {  	[sflag:s20] =	ssyncadd.s32 $0xFFFFFFB0  }
0x9a: {  	v1 =	vld [tilespmem:$0x40]  }
0x9b: {  	v2 =	vld [tilespmem:$0x30]  }
0x9c: {  	v3 =	vld [tilespmem:$0x10]  }
0x9d: {  	v4 =	vld [tilespmem:$0x0]  }
0x9e: {  	v5 =	vld [tilespmem:$0x20]  }
.Ltmp0:
0x9f: {  	v1 =	vadd.s32 v0, v1;
	(pc) =	sbr.rel @p0 .LBB2_3-.Ltmp0, $4  }
0xa0: {  	v2 =	vadd.s32 v0, v2;
	[tilespmem:$0x40] =	vst v1  }
0xa1: {  	v1 =	vadd.s32 v0, v3;
	[tilespmem:$0x30] =	vst v2  }
0xa2: {  	v2 =	vadd.s32 v0, v4;
	[tilespmem:$0x10] =	vst v1  }
0xa3: {  	[tilespmem:$0x0] =	vst v2;
	v1 =	vadd.s32 v0, v5  }
0xa4: {  	[tilespmem:$0x20] =	vst v1  }
0xa5: {  	[tilespmem:s23], [sflag:$0x1] =	stream.indirect.gather [hbm4b:s4+s22], $0x80, s3, s22, $0xb8;
	[tilespmem:$0x1D200] =	vst v63  }
0xa6: {  	_ =	swait.ge [sflag:s29], $0x2800  }
0xa7: {  	[sflag:s29] =	ssyncset.done $0x0  }
0xa8: {  	[sflag:s29] =	ssyncadd.s32 $0xFFFFD800  }
0xa9: {  	[spmem:s1] =	stream.indirect.scatter.add.f32 [tilespmem:s26], [sflag:$0x3], $0x80, s25, s22, $0xb8;
	[tilespmem:$0x1D200] =	vst v63  }
0xaa: {  	_ =	swait.ge [sflag:s20], $0x2800  }
0xab: {  	[sflag:s20] =	ssyncset.done $0x0  }
0xac: {  	[sflag:s20] =	ssyncadd.s32 $0xFFFFD800  }
0xad: {  	_ =	swait.ge [sflag:s28], $0x2800  }
0xae: {  	[sflag:s28] =	ssyncset.done $0x0  }
0xaf: {  	s0 =	sadd.s32 s9, s0;
	[sflag:s28] =	ssyncadd.s32 $0xFFFFD800  }
0xb0: {  	[spmem:s1] =	stream.indirect.scatter.add.f32 [tilespmem:s23], [sflag:$0x3], $0x80, s21, s22, $0xb8;
	[tilespmem:$0x1D200] =	vst v63  }
0xb1: {  	s2 =	stileid.u32;
	s5 =	sshrl.u32 s8, $0x3;
	_ =	swait.ge [sflag:s20], $0x2800  }
0xb2: {  	s31 =	sadd.s32 $0x1, s31;
	s0 =	sshll.u32 s0, $0x4;
	[sflag:s20] =	ssyncset.done $0x0  }
0xb3: {  	s2 =	sshll.u32 s2, $0x6;
	p0 =	sne.s32 s31, $0x8;
	[sflag:s20] =	ssyncadd.s32 $0xFFFFD800  }
0xb4: {  	s0 =	sadd.s32 s7, s0;
	s2 =	sor.u32 $0x1C03, s2;
	[bflag:$0x0] =	sbarrier.arrive $0xFFFF  }
0xb5: {  	[hbm:s0], [sflag:s2] =	dma.local [spmem:s5], $0x2800  }
.Ltmp1:
0xb6: {  	_ =	swait.ge [sflag:s20], $0x2800;
	(pc) =	sbr.rel @p0 .LBB2_2-.Ltmp1, $3  }
0xb7: {  	[sflag:s20] =	ssyncset.done $0x0  }
0xb8: {  	[sflag:s20] =	ssyncadd.s32 $0xFFFFD800  }
0xb9: {  	[bflag:$0x0] =	sbarrier.arrive $0xFFFF;
	_ =	sdelay $0x1  }
0xba: {  	s2 =	rddreg [dreg:$0x5]  }
0xbb: {  	s0 =	rddreg [dreg:$0x4];
	s2 =	sadd.s32 $0x1, s2  }
0xbc: {  	p0 =	sne.s32 s2, s0  }
.Ltmp2:
0xbd: {  	_ = 	snop;
	(pc) =	sbr.rel @p0 .LBB2_1-.Ltmp2, $1  }
0xbe: {  	_ =	sdelay $0x3  }
0xbf: {  	_ =	sfence.sel $0x180000  }
0xc0: {  	[bflag:$0x0] =	sbarrier.arrive $0xFFFF  }
0xc1: {  	_ =	strace $0x9000004A  }
0xc2: {  	s0 =	stileid.u32;
	[bflag:$0x2] =	sbarrier.arrive $0xFFFF  }
0xc3: {  	p0 =	sne.s32 s0, $0x0;
	s0 =	rddreg [dreg:$0x2]  }
0xc4: {  	s0 =	sadd.s32 @!p0 $0x100000, s0  }
0xc5: {  	[sflag:s0] =	ssyncadd.tile.s32 @!p0 $0x1;
	_ =	shalt  }
.Lfunc_end2:
_tile_overlayer_lowered:
.L_overlay_start_2:
0xc6: {  	(tag) =	ssettag $0x2  }
0xc7: {  	s0 =	rddreg [dreg:$0x0];
	s2 =	stileid.u32  }
0xc8: {  	s1 =	rddreg [dreg:$0x1];
	p0 =	sne.s32 s2, $0x0  }
0xc9: {  	s3 =	rddreg [dreg:$0x2];
	[bflag:$0x3] =	sbarrier.arrive $0xFFFF;
	s2 =	simm.s32 @!p0 $0x1C03  }
0xca: {  	[timem:s3], [sflag:s2] =	dma.local @!p0 [hbm:s0], s1  }
0xcb: {  	s0 =	simm.s32 @!p0 $0x3  }
0xcc: {  	_ =	swait.ge @!p0 [sflag:s0], s1  }
0xcd: {  	s1 =	ssub.s32 @!p0 $0x0, s1;
	[sflag:s0] =	ssyncset.done @!p0 $0x0  }
0xce: {  	[sflag:s0] =	ssyncadd.s32 @!p0 s1  }
0xcf: {  	[bflag:$0x3] =	sbarrier.arrive $0xFFFF  }
0xd0: {  	_ =	shalt  }

// kernel: kernel.9.cloned.1.call-start
scs
__scs_entry_jumppad:
0x0: {  	(pc) =	sbr.rel $0x88, $3  }
0x1: {  	(tag) =	ssettag $0x0;
	lr =	simm.s32 $0x1  }
0x2: {  	[smem:$0x3F9B] =	sst lr;
	_ =	strace $0xD0000000  }
0x3: {  	_ = 	snop  }
0x4: {  	_ = 	snop  }
0x5: {  	_ = 	snop  }
0x6: {  	_ = 	snop  }
0x7: {  	_ = 	snop  }
__scs_overlays_trampoline_lowered:
0x8: {  	[smem:$0x3FAA] =	sst s0  }
0x9: {  	[smem:$0x3FAB] =	sst s1  }
0xa: {  	[smem:$0x3FAC] =	sst s2  }
0xb: {  	[smem:$0x3FAD] =	sst s3  }
0xc: {  	[smem:$0x3FAE] =	sst s4  }
0xd: {  	[smem:$0x3FAF] =	sst s5  }
0xe: {  	[smem:$0x3FB0] =	sst s6  }
0xf: {  	[smem:$0x3FB1] =	sst s7  }
0x10: {  	[smem:$0x3FB2] =	sst s8  }
0x11: {  	[smem:$0x3FB3] =	sst s9;
	s0 =	simm.s32 @!p0 $0x0  }
0x12: {  	s1 =	sld [smem:$0x3F99];
	s0 =	simm.s32 @p0 $0x1  }
0x13: {  	[smem:$0x3FB4] =	sst s0;
	s0 =	simm.s32 @!p1 $0x0  }
0x14: {  	s2 =	sld [smem:$0x3F98];
	s0 =	simm.s32 @p1 $0x1  }
0x15: {  	[smem:$0x3FB5] =	sst s0;
	s0 =	simm.s32 @!p2 $0x0  }
0x16: {  	s3 =	sld [smem:$0x3FDB];
	s0 =	simm.s32 @p2 $0x1  }
0x17: {  	s4 =	simm.s32 $0x1BF5;
	[smem:$0x3FB7] =	sst s0  }
0x18: {  	s0 =	sld [smem:$0x3F9A];
	_ =	swait.ge [sflag:s4], $0x0  }
0x19: {  	s7 =	sld [smem:$0x3F9B]  }
0x1a: {  	s8 =	sadd.s32 $0xFFFFE003, lr  }
0x1b: {  	s9 =	sadd.s32 $0xFFFFFEF7, lr;
	s5 =	simm.s32 $0xFFFFFFFF;
	p2 =	slt.u32 s8, $0xFFFFF086  }
0x1c: {  	p1 =	slt.u32 s9, $0xF7A;
	s5 =	simm.s32 @!p2 $0x0  }
0x1d: {  	s5 =	simm.s32 @p1 $0x1;
	p0 =	seq.s32 s7, s2  }
0x1e: {  	s7 =	smul.u32 @!p0 $0xF7A, s2;
	p2 =	seq.s32 @!p0 s5, $0x0  }
0x1f: {  	s9 =	smul.u32 $0xF7A, s1;
	s8 =	simm.s32 @!p0 $0x1BF5;
	p2 =	por !p2, p0  }
0x20: {  	[sflag:s8] =	ssyncset.s32 @!p0 $0xFFFFF086;
	s6 =	sadd.s32 @!p0 s3, s7;
	s7 =	simm.s32 @!p0 $0x108  }
0x21: {  	s3 =	sadd.s32 s3, s9;
	s6 =	sadd.s32 @!p0 $0x88, s6;
	s7 =	simm.s32 @p2 $0x1082  }
0x22: {  	[simem:s7], [sflag:s8] =	dma.local @!p0 [hbm:s6], $0xF7A  }
0x23: {  	s9 =	sor.u32 $0xD0000000, s2;
	s6 =	simm.s32 $0x108;
	_ =	swait.ge @!p0 [sflag:s8], $0x0  }
0x24: {  	s3 =	sadd.s32 $0x88, s3;
	s6 =	simm.s32 @!p1 $0x1082;
	[sflag:s4] =	ssyncset.s32 $0xFFFFF086  }
0x25: {  	[simem:s6], [sflag:s4] =	dma.local [hbm:s3], $0xF7A  }
0x26: {  	[smem:$0x3F9B] =	sst s1;
	(tag) =	ssettag s2;
	_ =	strace s9  }
0x27: {  	s1 =	sld [smem:$0x3FAB]  }
0x28: {  	s2 =	sld [smem:$0x3FAC]  }
0x29: {  	s4 =	sld [smem:$0x3FAE]  }
0x2a: {  	p0 =	seq.s32 s5, $0x0;
	s5 =	sld [smem:$0x3FAF]  }
0x2b: {  	s6 =	sld [smem:$0x3FB0]  }
0x2c: {  	s7 =	sld [smem:$0x3FB1]  }
0x2d: {  	s3 =	simm.s32 $0x108;
	s8 =	sld [smem:$0x3FB2]  }
0x2e: {  	s3 =	simm.s32 @!p0 $0x1082;
	s9 =	sld [smem:$0x3FB3]  }
0x2f: {  	lr =	sadd.s32 s0, s3;
	s0 =	sld [smem:$0x3FAA]  }
0x30: {  	s3 =	sld [smem:$0x3FAD]  }
0x31: {  	[smem:$0x3FB6] =	sst s10  }
0x32: {  	s10 =	sld [smem:$0x3FB4];
	_ =	sdelay $0x3  }
0x33: {  	p0 =	seq.s32 s10, $0x1;
	s10 =	sld [smem:$0x3FB6];
	_ =	sdelay $0x3  }
0x34: {  	[smem:$0x3FB6] =	sst s10  }
0x35: {  	s10 =	sld [smem:$0x3FB5];
	_ =	sdelay $0x3  }
0x36: {  	p1 =	seq.s32 s10, $0x1;
	s10 =	sld [smem:$0x3FB6];
	_ =	sdelay $0x3  }
0x37: {  	[smem:$0x3FB6] =	sst s10  }
0x38: {  	s10 =	sld [smem:$0x3FB7]  }
0x39: {  	_ = 	snop;
	(pc) =	sbr.ind lr, $3  }
0x3a: {  	_ = 	snop  }
0x3b: {  	_ = 	snop  }
0x3c: {  	p2 =	seq.s32 s10, $0x1;
	s10 =	sld [smem:$0x3FB6]  }
0x3d: {  	_ =	shalt  }
0x3e: {  	_ =	shalt  }
0x3f: {  	_ =	shalt  }
0x40: {  	_ =	shalt  }
0x41: {  	_ =	shalt  }
0x42: {  	_ =	shalt  }
0x43: {  	_ =	shalt  }
0x44: {  	_ =	shalt  }
0x45: {  	_ =	shalt  }
0x46: {  	_ =	shalt  }
0x47: {  	_ =	shalt  }
0x48: {  	_ =	shalt  }
0x49: {  	_ =	shalt  }
0x4a: {  	_ =	shalt  }
0x4b: {  	_ =	shalt  }
0x4c: {  	_ =	shalt  }
0x4d: {  	_ =	shalt  }
0x4e: {  	_ =	shalt  }
0x4f: {  	_ =	shalt  }
0x50: {  	_ =	shalt  }
0x51: {  	_ =	shalt  }
0x52: {  	_ =	shalt  }
0x53: {  	_ =	shalt  }
0x54: {  	_ =	shalt  }
0x55: {  	_ =	shalt  }
0x56: {  	_ =	shalt  }
0x57: {  	_ =	shalt  }
0x58: {  	_ =	shalt  }
0x59: {  	_ =	shalt  }
0x5a: {  	_ =	shalt  }
0x5b: {  	_ =	shalt  }
0x5c: {  	_ =	shalt  }
0x5d: {  	_ =	shalt  }
0x5e: {  	_ =	shalt  }
0x5f: {  	_ =	shalt  }
0x60: {  	_ =	shalt  }
0x61: {  	_ =	shalt  }
0x62: {  	_ =	shalt  }
0x63: {  	_ =	shalt  }
0x64: {  	_ =	shalt  }
0x65: {  	_ =	shalt  }
0x66: {  	_ =	shalt  }
0x67: {  	_ =	shalt  }
0x68: {  	_ =	shalt  }
0x69: {  	_ =	shalt  }
0x6a: {  	_ =	shalt  }
0x6b: {  	_ =	shalt  }
0x6c: {  	_ =	shalt  }
0x6d: {  	_ =	shalt  }
0x6e: {  	_ =	shalt  }
0x6f: {  	_ =	shalt  }
0x70: {  	_ =	shalt  }
0x71: {  	_ =	shalt  }
0x72: {  	_ =	shalt  }
0x73: {  	_ =	shalt  }
0x74: {  	_ =	shalt  }
0x75: {  	_ =	shalt  }
0x76: {  	_ =	shalt  }
0x77: {  	_ =	shalt  }
0x78: {  	_ =	shalt  }
0x79: {  	_ =	shalt  }
0x7a: {  	_ =	shalt  }
0x7b: {  	_ =	shalt  }
0x7c: {  	_ =	shalt  }
0x7d: {  	_ =	shalt  }
0x7e: {  	_ =	shalt  }
0x7f: {  	_ =	shalt  }
0x80: {  	_ =	shalt  }
0x81: {  	_ =	shalt  }
0x82: {  	_ =	shalt  }
0x83: {  	_ =	shalt  }
0x84: {  	_ =	shalt  }
0x85: {  	_ =	shalt  }
0x86: {  	_ =	shalt  }
0x87: {  	_ =	shalt  }
.Lfunc_end0:
.L_simem_size_0:
called_computation.2_lowered:
.L_overlay_start_0:
0x88: {  	s2 =	sld [smem:$0x3FD9]  }
0x89: {  	s3 =	sld [smem:$0x3FFE];
	_ =	sdelay $0x1  }
0x8a: {  	s1 =	srdreg.scid  }
0x8b: {  	s0 =	sand.u32 $0x1, s1  }
0x8c: {  	s16 =	sshll.u32 s0, $0xA;
	s2 =	sadd.s32 s3, s2  }
0x8d: {  	s2 =	sadd.s32 s2, s16  }
0x8e: {  	[smem:$0x3FC2] =	sst s2  }
0x8f: {  	_ = 	snop  }
0x90: {  	(tm) =	ssettm $0x1  }
0x91: {  	s17 =	sld [smem:$0x3FFB];
	_ =	sdelay $0x3  }
0x92: {  	_ =	strace s17  }
0x93: {  	s2 =	sld [smem:$0x3FFC];
	_ =	sdelay $0x3  }
0x94: {  	_ =	strace s2  }
0x95: {  	s2 =	sld [smem:$0x3FFD];
	_ =	sdelay $0x3  }
0x96: {  	_ =	strace s2  }
0x97: {  	_ =	strace $0x8FFFFFFF  }
0x98: {  	s18 =	sld [smem:$0x3FDB];
	_ =	sdelay $0x1  }
0x99: {  	s19 =	simm.s32 $_scs_section_size  }
0x9a: {  	s4 =	simm.s32 $_size__tile_overlayer_lowered;
	s5 =	simm.s32 $_tile_overlayer_lowered  }
0x9b: {  	s22 =	simm.s32 $0x1BFF;
	s21 =	sshll.u32 s5, $0x1;
	s2 =	sadd.s32 s19, s18  }
0x9c: {  	s6 =	simm.s32 $0x0;
	s20 =	sshll.u32 s4, $0x1;
	s4 =	sadd.s32 s21, s2  }
0x9d: {  	[timem:s6], [sflag:s22] =	dma.local [hbm:s4], s20  }
0x9e: {  	_ =	swait.ge [sflag:s22], s20  }
0x9f: {  	s3 =	ssub.s32 $0x0, s20;
	[sflag:s22] =	ssyncset.done $0x0  }
0xa0: {  	[sflag:s22] =	ssyncadd.s32 s3;
	_ =	sdelay $0x1  }
0xa1: {  	s23 =	simm.s32 $0x1B8B  }
0xa2: {  	_ =	swait.ge [sflag:s23], $0x1  }
0xa3: {  	[sflag:s23] =	ssyncset.done $0x0  }
0xa4: {  	s25 =	simm.s32 $0x1B8E;
	s24 =	sld [smem:$0x3FFE];
	[sflag:s23] =	ssyncadd.s32 $0xFFFFFFFF  }
0xa5: {  	s26 =	simm.s32 $execute0_lowered;
	[smem:$0x3FD2] =	sst s25  }
0xa6: {  	s4 =	sshll.u32 s26, $0x1;
	_ =	strace $0x8000004C;
	[dreg:$0x1] =	wrdreg $0xFFFFFFFF  }
0xa7: {  	s28 =	simm.s32 $_size_execute0_lowered;
	s2 =	sadd.s32 s2, s4;
	[dreg:$0x0] =	wrdreg $0x0  }
0xa8: {  	s4 =	sshll.u32 s28, $0x1;
	[dreg:$0x2] =	wrdreg s2  }
0xa9: {  	[dreg:$0x3] =	wrdreg s4  }
0xaa: {  	[dreg:$0x4] =	wrdreg $0xC0  }
0xab: {  	_ =	task [dreg:s6], $0x5FFFF  }
0xac: {  	[dreg:$0x1] =	wrdreg $0xFFFFFFFF  }
0xad: {  	[dreg:$0x0] =	wrdreg $0x60  }
0xae: {  	[dreg:$0x2] =	wrdreg s24  }
0xaf: {  	[dreg:$0x3] =	wrdreg $0x92000  }
0xb0: {  	[dreg:$0x4] =	wrdreg $0x9  }
0xb1: {  	_ =	task.clear_ibuf [dreg:s6], $0x5FFFF;
	_ =	strace $0x9000004C  }
0xb2: {  	s29 =	simm.s32 $0x9;
	_ =	strace $0x8000004E  }
0xb3: {  	_ =	swait.ge [sflag:s29], $0x1  }
0xb4: {  	[sflag:s29] =	ssyncadd.s32 $0xFFFFFFFF  }
0xb5: {  	_ =	strace $0x9000004E  }
0xb6: {  	_ =	sfence  }
0xb7: {  	s30 =	sld [smem:$0x0];
	_ =	sdelay $0x2  }
0xb8: {  	s31 =	sshll.u32 s1, $0xD;
	s1 =	sshrl.u32 s1, $0x2  }
0xb9: {  	s3 =	sand.u32 $0x4000, s31;
	s1 =	sadd.s32 s1, s30  }
0xba: {  	s0 =	sor.u32 s3, s0;
	s1 =	sshll.u32 s1, $0x11  }
0xbb: {  	s0 =	sor.u32 s1, s0  }
0xbc: {  	s0 =	sadd.s32 $0x8F2B, s0  }
0xbd: {  	[sflag:s0] =	ssyncadd.remote.s32 $0x1  }
0xbe: {  	_ =	sfence.sel $0xFFFF  }
0xbf: {  	[dreg:$0x0] =	wrdreg $0xFFFFFFFF;
	(pc) =	sbr.abs _section_cstart, $3  }
0xc0: {  	[dreg:$0x1] =	wrdreg $0xFFFFFFFF  }
0xc1: {  	_ =	task.clear_ibuf [dreg:s6], $0x2FFFF;
	_ =	strace $0x9FFFFFFF  }
0xc2: {  	(tm) =	ssettm $0x7FFFFFFF  }
0xc3: {  	_ =	shalt  }
tec
execute0_lowered:
.L_overlay_start_1:
0x0: {  	(tag) =	ssettag $0x1  }
0x1: {  	s0 =	rddreg [dreg:$0x0]  }
0x2: {  	s1 =	rddreg [dreg:$0x1];
	s3 =	simm.s32 $0x0  }
0x3: {  	s2 =	stileid.u32;
	s6 =	srdreg.scid;
	s19 =	simm.s32 $0x5200  }
0x4: {  	s20 =	simm.s32 $0x3;
	s21 =	simm.s32 $0x100;
	s22 =	simm.s32 $0x50  }
0x5: {  	s23 =	simm.s32 $0x200;
	s24 =	simm.s32 $0x80;
	s25 =	simm.s32 $0x180  }
0x6: {  	s26 =	simm.s32 $0x2A00;
	s28 =	simm.s32 $0x1;
	s29 =	simm.s32 $0x2  }
0x7: {  	[smem:$0x7FF] =	sst s3;
	s4 =	sadd.s32 $0xBA00, s0;
	s8 =	smul.u32 $0x50000, s2  }
0x8: {  	s5 =	sadd.s32 $0x5600, s0;
	s16 =	sadd.s32 $0x600, s0;
	s12 =	smul.u32 $0x2710, s2  }
0x9: {  	s7 =	sadd.s32 $0xB200, s0;
	s6 =	sand.u32 $0x1, s6;
	s18 =	smul.u32 $0x4E2, s2  }
0xa: {  	_ =	strace $0x8000004D;
	[dreg:$0x3] =	wrdreg s7;
	s31 =	ssub.s32 $0x2, s6  }
0xb: {  	s7 =	sadd.s32 $0x77C200, s0;
	s8 =	sshrl.u32 s8, $0x2;
	s9 =	sshrl.u32 s31, $0x1  }
0xc: {  	s15 =	sshrl.u32 s12, $0x3;
	s17 =	sadd.s32 s18, s16;
	s18 =	sadd.s32 s18, s5  }
0xd: {  	s8 =	sadd.s32 s8, s1;
	s0 =	ssub.s32 s31, s9;
	s9 =	smul.u32 $0x280, s2  }
0xe: {  	s14 =	sadd.s32 s5, s15;
	s15 =	sadd.s32 s16, s15;
	s2 =	simm.s32 $0x0  }
0xf: {  	s10 =	sadd.s32 $0x4000, s8;
	s11 =	sadd.s32 $0x8000, s8;
	s0 =	smax.u32 s0, $0x1  }
0x10: {  	s12 =	sadd.s32 $0xC000, s8;
	s13 =	sadd.s32 $0x10000, s8;
	[dreg:$0x4] =	wrdreg s0  }
.LBB2_1:
0x11: {  	[dreg:$0x5] =	wrdreg s2  }
0x12: {  	s0 =	rddreg [dreg:$0x3]  }
0x13: {  	[tilespmem:s19], [sflag:$0x3] =	stream.linear.gather [hbm4b:s0+s3], $0x4000, $0x38;
	[tilespmem:$0x1D200] =	vst v63  }
0x14: {  	_ =	swait.ge [sflag:s20], $0x4000  }
0x15: {  	[sflag:s20] =	ssyncset.done $0x0  }
0x16: {  	s31 =	simm.s32 $0x0;
	[sflag:s20] =	ssyncadd.s32 $0xFFFFC000  }
.LBB2_2:
0x17: {  	[spmem:s8] =	stream.linear.scatter [tilespmem:s19], [sflag:$0x3], $0x4000, $0x38;
	[tilespmem:$0x1D200] =	vst v63  }
0x18: {  	_ =	swait.ge [sflag:s20], $0x4000  }
0x19: {  	[sflag:s20] =	ssyncset.done $0x0  }
0x1a: {  	[sflag:s20] =	ssyncadd.s32 $0xFFFFC000  }
0x1b: {  	[spmem:s10] =	stream.linear.scatter [tilespmem:s19], [sflag:$0x3], $0x4000, $0x38;
	[tilespmem:$0x1D200] =	vst v63  }
0x1c: {  	_ =	swait.ge [sflag:s20], $0x4000  }
0x1d: {  	[sflag:s20] =	ssyncset.done $0x0  }
0x1e: {  	[sflag:s20] =	ssyncadd.s32 $0xFFFFC000  }
0x1f: {  	[spmem:s11] =	stream.linear.scatter [tilespmem:s19], [sflag:$0x3], $0x4000, $0x38;
	[tilespmem:$0x1D200] =	vst v63  }
0x20: {  	_ =	swait.ge [sflag:s20], $0x4000  }
0x21: {  	[sflag:s20] =	ssyncset.done $0x0  }
0x22: {  	[sflag:s20] =	ssyncadd.s32 $0xFFFFC000  }
0x23: {  	[spmem:s12] =	stream.linear.scatter [tilespmem:s19], [sflag:$0x3], $0x4000, $0x38;
	[tilespmem:$0x1D200] =	vst v63  }
0x24: {  	_ =	swait.ge [sflag:s20], $0x4000  }
0x25: {  	[sflag:s20] =	ssyncset.done $0x0  }
0x26: {  	[sflag:s20] =	ssyncadd.s32 $0xFFFFC000  }
0x27: {  	[spmem:s13] =	stream.linear.scatter [tilespmem:s19], [sflag:$0x3], $0x4000, $0x38;
	[tilespmem:$0x1D200] =	vst v63  }
0x28: {  	_ =	swait.ge [sflag:s20], $0x4000  }
0x29: {  	[sflag:s20] =	ssyncset.done $0x0  }
0x2a: {  	[sflag:s20] =	ssyncadd.s32 $0xFFFFC000  }
0x2b: {  	[bflag:$0x0] =	sbarrier.arrive $0xFFFF  }
0x2c: {  	[tilespmem:s3], [sflag:$0x3] =	stream.linear.gather [hbm4b:s14+s3], $0x50, $0x38;
	[tilespmem:$0x1D200] =	vst v63  }
0x2d: {  	_ =	swait.ge [sflag:s20], $0x50  }
0x2e: {  	[sflag:s20] =	ssyncset.done $0x0  }
0x2f: {  	[sflag:s20] =	ssyncadd.s32 $0xFFFFFFB0  }
0x30: {  	[tilespmem:s21], [sflag:$0x3] =	stream.linear.gather [hbm4b:s15+s3], $0x50, $0x38;
	[tilespmem:$0x1D200] =	vst v63  }
0x31: {  	_ =	swait.ge [sflag:s20], $0x50  }
0x32: {  	[sflag:s20] =	ssyncset.done $0x0  }
0x33: {  	[sflag:s20] =	ssyncadd.s32 $0xFFFFFFB0  }
0x34: {  	v0 =	vld [tilespmem:$0x0]  }
0x35: {  	s0 =	sshll.u32 s31, $0x1;
	v1 =	vld [tilespmem:$0x10]  }
0x36: {  	s0 =	sor.u32 s6, s0;
	v2 =	vld [tilespmem:$0x20]  }
0x37: {  	s0 =	smul.u32 $0x2800, s0;
	v3 =	vld [tilespmem:$0x30]  }
0x38: {  	v4 =	vld [tilespmem:$0x40]  }
0x39: {  	v0 =	vadd.s32 s0, v0  }
0x3a: {  	[tilespmem:$0x0] =	vst v0;
	v0 =	vadd.s32 s0, v1  }
0x3b: {  	[tilespmem:$0x10] =	vst v0;
	v0 =	vadd.s32 s0, v2  }
0x3c: {  	[tilespmem:$0x20] =	vst v0;
	v0 =	vadd.s32 s0, v3  }
0x3d: {  	[tilespmem:$0x30] =	vst v0;
	v0 =	vadd.s32 s0, v4  }
0x3e: {  	s5 =	sadd.s32 $0xFFFFFB28, s18;
	[tilespmem:$0x40] =	vst v0  }
0x3f: {  	[tilespmem:s23], [sflag:$0x1] =	stream.indirect.gather [hbm4b:s4+s22], $0x80, s3, s22, $0xb8;
	[tilespmem:$0x1D200] =	vst v63  }
0x40: {  	s16 =	sadd.s32 $0x4E2, s5  }
0x41: {  	[tilespmem:s24], [sflag:$0x3] =	stream.linear.gather [hbm4b:s16+s3], $0x50, $0x38;
	[tilespmem:$0x1D200] =	vst v63  }
0x42: {  	_ =	swait.ge [sflag:s20], $0x50  }
0x43: {  	s2 =	sadd.s32 $0xFFFFFB28, s17;
	[sflag:s20] =	ssyncset.done $0x0  }
0x44: {  	s30 =	sadd.s32 $0x4E2, s2;
	[sflag:s20] =	ssyncadd.s32 $0xFFFFFFB0  }
0x45: {  	[tilespmem:s25], [sflag:$0x3] =	stream.linear.gather [hbm4b:s30+s3], $0x50, $0x38;
	[tilespmem:$0x1D200] =	vst v63  }
0x46: {  	_ =	swait.ge [sflag:s20], $0x50  }
0x47: {  	[sflag:s20] =	ssyncset.done $0x0  }
0x48: {  	[sflag:s20] =	ssyncadd.s32 $0xFFFFFFB0  }
0x49: {  	v1 =	vld [tilespmem:$0xC0]  }
0x4a: {  	v2 =	vld [tilespmem:$0xA0]  }
0x4b: {  	v3 =	vld [tilespmem:$0x90]  }
0x4c: {  	v61 =	vld [tilespmem:$0x80]  }
0x4d: {  	v0 =	vmov s0;
	v5 =	vld [tilespmem:$0xB0]  }
0x4e: {  	v1 =	vadd.s32 v0, v1  }
0x4f: {  	v2 =	vadd.s32 v0, v2;
	[tilespmem:$0xC0] =	vst v1  }
0x50: {  	v1 =	vadd.s32 v0, v3;
	[tilespmem:$0xA0] =	vst v2  }
0x51: {  	v2 =	vadd.s32 v0, v61;
	[tilespmem:$0x90] =	vst v1  }
0x52: {  	[tilespmem:$0x80] =	vst v2;
	v1 =	vadd.s32 v0, v5  }
0x53: {  	[tilespmem:$0xB0] =	vst v1  }
0x54: {  	[tilespmem:s26], [sflag:$0x2] =	stream.indirect.gather [hbm4b:s4+s22], $0x80, s24, s22, $0xb8;
	[tilespmem:$0x1D200] =	vst v63  }
0x55: {  	_ =	swait.ge [sflag:s28], $0x2800  }
0x56: {  	[sflag:s28] =	ssyncset.done $0x0  }
0x57: {  	[sflag:s28] =	ssyncadd.s32 $0xFFFFD800  }
0x58: {  	[spmem:s1] =	stream.indirect.scatter.add.f32 [tilespmem:s23], [sflag:$0x3], $0x80, s21, s22, $0xb8;
	[tilespmem:$0x1D200] =	vst v63  }
0x59: {  	_ =	swait.ge [sflag:s20], $0x2800  }
0x5a: {  	[sflag:s20] =	ssyncset.done $0x0  }
0x5b: {  	s5 =	sadd.s32 $0x4EC, s5;
	[sflag:s20] =	ssyncadd.s32 $0xFFFFD800  }
0x5c: {  	[tilespmem:s3], [sflag:$0x3] =	stream.linear.gather [hbm4b:s5+s3], $0x50, $0x38;
	[tilespmem:$0x1D200] =	vst v63  }
0x5d: {  	_ =	swait.ge [sflag:s20], $0x50  }
0x5e: {  	[sflag:s20] =	ssyncset.done $0x0  }
0x5f: {  	s30 =	sadd.s32 $0x4EC, s2;
	[sflag:s20] =	ssyncadd.s32 $0xFFFFFFB0  }
0x60: {  	[tilespmem:s21], [sflag:$0x3] =	stream.linear.gather [hbm4b:s30+s3], $0x50, $0x38;
	[tilespmem:$0x1D200] =	vst v63  }
0x61: {  	_ =	swait.ge [sflag:s20], $0x50  }
0x62: {  	[sflag:s20] =	ssyncset.done $0x0  }
0x63: {  	[sflag:s20] =	ssyncadd.s32 $0xFFFFFFB0  }
0x64: {  	v1 =	vld [tilespmem:$0x40]  }
0x65: {  	v2 =	vld [tilespmem:$0x30]  }
0x66: {  	v3 =	vld [tilespmem:$0x10]  }
0x67: {  	v62 =	vld [tilespmem:$0x0]  }
0x68: {  	v63 =	vld [tilespmem:$0x20]  }
0x69: {  	v1 =	vadd.s32 v0, v1  }
0x6a: {  	v2 =	vadd.s32 v0, v2;
	[tilespmem:$0x40] =	vst v1  }
0x6b: {  	v1 =	vadd.s32 v0, v3;
	[tilespmem:$0x30] =	vst v2  }
0x6c: {  	v2 =	vadd.s32 v0, v62;
	[tilespmem:$0x10] =	vst v1  }
0x6d: {  	s5 =	simm.s32 $0xFFFFFB3C;
	[tilespmem:$0x0] =	vst v2;
	v1 =	vadd.s32 v0, v63  }
.LBB2_3:
0x6e: {  	p0 =	sne.s32 s5, $0xFFFFFFEC;
	[tilespmem:$0x20] =	vst v1;
	s30 =	smov.u32 s5;
	s5 =	sadd.s32 $0x14, s5  }
0x6f: {  	[tilespmem:s23], [sflag:$0x1] =	stream.indirect.gather [hbm4b:s4+s22], $0x80, s3, s22, $0xb8;
	[tilespmem:$0x1D200] =	vst v63  }
0x70: {  	_ =	swait.ge [sflag:s29], $0x2800  }
0x71: {  	[sflag:s29] =	ssyncset.done $0x0  }
0x72: {  	[sflag:s29] =	ssyncadd.s32 $0xFFFFD800  }
0x73: {  	[spmem:s1] =	stream.indirect.scatter.add.f32 [tilespmem:s26], [sflag:$0x3], $0x80, s25, s22, $0xb8;
	[tilespmem:$0x1D200] =	vst v63  }
0x74: {  	_ =	swait.ge [sflag:s20], $0x2800  }
0x75: {  	s16 =	sadd.s32 s30, s18;
	[sflag:s20] =	ssyncset.done $0x0  }
0x76: {  	s2 =	sadd.s32 $0x4E2, s16;
	[sflag:s20] =	ssyncadd.s32 $0xFFFFD800  }
0x77: {  	[tilespmem:s24], [sflag:$0x3] =	stream.linear.gather [hbm4b:s2+s3], $0x50, $0x38;
	[tilespmem:$0x1D200] =	vst v63  }
0x78: {  	_ =	swait.ge [sflag:s20], $0x50  }
0x79: {  	s30 =	sadd.s32 s30, s17;
	[sflag:s20] =	ssyncset.done $0x0  }
0x7a: {  	s2 =	sadd.s32 $0x4E2, s30;
	[sflag:s20] =	ssyncadd.s32 $0xFFFFFFB0  }
0x7b: {  	[tilespmem:s25], [sflag:$0x3] =	stream.linear.gather [hbm4b:s2+s3], $0x50, $0x38;
	[tilespmem:$0x1D200] =	vst v63  }
0x7c: {  	_ =	swait.ge [sflag:s20], $0x50  }
0x7d: {  	[sflag:s20] =	ssyncset.done $0x0  }
0x7e: {  	[sflag:s20] =	ssyncadd.s32 $0xFFFFFFB0  }
0x7f: {  	v1 =	vld [tilespmem:$0xC0]  }
0x80: {  	v2 =	vld [tilespmem:$0xA0]  }
0x81: {  	v3 =	vld [tilespmem:$0x90]  }
0x82: {  	v4 =	vld [tilespmem:$0x80]  }
0x83: {  	v5 =	vld [tilespmem:$0xB0]  }
0x84: {  	v1 =	vadd.s32 v0, v1  }
0x85: {  	v2 =	vadd.s32 v0, v2;
	[tilespmem:$0xC0] =	vst v1  }
0x86: {  	v1 =	vadd.s32 v0, v3;
	[tilespmem:$0xA0] =	vst v2  }
0x87: {  	v2 =	vadd.s32 v0, v4;
	[tilespmem:$0x90] =	vst v1  }
0x88: {  	[tilespmem:$0x80] =	vst v2;
	v1 =	vadd.s32 v0, v5  }
0x89: {  	[tilespmem:$0xB0] =	vst v1  }
0x8a: {  	[tilespmem:s26], [sflag:$0x2] =	stream.indirect.gather [hbm4b:s4+s22], $0x80, s24, s22, $0xb8;
	[tilespmem:$0x1D200] =	vst v63  }
0x8b: {  	_ =	swait.ge [sflag:s28], $0x2800  }
0x8c: {  	[sflag:s28] =	ssyncset.done $0x0  }
0x8d: {  	[sflag:s28] =	ssyncadd.s32 $0xFFFFD800  }
0x8e: {  	[spmem:s1] =	stream.indirect.scatter.add.f32 [tilespmem:s23], [sflag:$0x3], $0x80, s21, s22, $0xb8;
	[tilespmem:$0x1D200] =	vst v63  }
0x8f: {  	_ =	swait.ge [sflag:s20], $0x2800  }
0x90: {  	[sflag:s20] =	ssyncset.done $0x0  }
0x91: {  	s2 =	sadd.s32 $0x4EC, s16;
	[sflag:s20] =	ssyncadd.s32 $0xFFFFD800  }
0x92: {  	[tilespmem:s3], [sflag:$0x3] =	stream.linear.gather [hbm4b:s2+s3], $0x50, $0x38;
	[tilespmem:$0x1D200] =	vst v63  }
0x93: {  	_ =	swait.ge [sflag:s20], $0x50  }
0x94: {  	[sflag:s20] =	ssyncset.done $0x0  }
0x95: {  	s2 =	sadd.s32 $0x4EC, s30;
	[sflag:s20] =	ssyncadd.s32 $0xFFFFFFB0  }
0x96: {  	[tilespmem:s21], [sflag:$0x3] =	stream.linear.gather [hbm4b:s2+s3], $0x50, $0x38;
	[tilespmem:$0x1D200] =	vst v63  }
0x97: {  	_ =	swait.ge [sflag:s20], $0x50  }
0x98: {  	[sflag:s20] =	ssyncset.done $0x0  }
0x99: {  	[sflag:s20] =	ssyncadd.s32 $0xFFFFFFB0  }
0x9a: {  	v1 =	vld [tilespmem:$0x40]  }
0x9b: {  	v2 =	vld [tilespmem:$0x30]  }
0x9c: {  	v3 =	vld [tilespmem:$0x10]  }
0x9d: {  	v4 =	vld [tilespmem:$0x0]  }
0x9e: {  	v5 =	vld [tilespmem:$0x20]  }
.Ltmp0:
0x9f: {  	v1 =	vadd.s32 v0, v1;
	(pc) =	sbr.rel @p0 .LBB2_3-.Ltmp0, $4  }
0xa0: {  	v2 =	vadd.s32 v0, v2;
	[tilespmem:$0x40] =	vst v1  }
0xa1: {  	v1 =	vadd.s32 v0, v3;
	[tilespmem:$0x30] =	vst v2  }
0xa2: {  	v2 =	vadd.s32 v0, v4;
	[tilespmem:$0x10] =	vst v1  }
0xa3: {  	[tilespmem:$0x0] =	vst v2;
	v1 =	vadd.s32 v0, v5  }
0xa4: {  	[tilespmem:$0x20] =	vst v1  }
0xa5: {  	[tilespmem:s23], [sflag:$0x1] =	stream.indirect.gather [hbm4b:s4+s22], $0x80, s3, s22, $0xb8;
	[tilespmem:$0x1D200] =	vst v63  }
0xa6: {  	_ =	swait.ge [sflag:s29], $0x2800  }
0xa7: {  	[sflag:s29] =	ssyncset.done $0x0  }
0xa8: {  	[sflag:s29] =	ssyncadd.s32 $0xFFFFD800  }
0xa9: {  	[spmem:s1] =	stream.indirect.scatter.add.f32 [tilespmem:s26], [sflag:$0x3], $0x80, s25, s22, $0xb8;
	[tilespmem:$0x1D200] =	vst v63  }
0xaa: {  	_ =	swait.ge [sflag:s20], $0x2800  }
0xab: {  	[sflag:s20] =	ssyncset.done $0x0  }
0xac: {  	[sflag:s20] =	ssyncadd.s32 $0xFFFFD800  }
0xad: {  	_ =	swait.ge [sflag:s28], $0x2800  }
0xae: {  	[sflag:s28] =	ssyncset.done $0x0  }
0xaf: {  	s0 =	sadd.s32 s9, s0;
	[sflag:s28] =	ssyncadd.s32 $0xFFFFD800  }
0xb0: {  	[spmem:s1] =	stream.indirect.scatter.add.f32 [tilespmem:s23], [sflag:$0x3], $0x80, s21, s22, $0xb8;
	[tilespmem:$0x1D200] =	vst v63  }
0xb1: {  	s2 =	stileid.u32;
	s5 =	sshrl.u32 s8, $0x3;
	_ =	swait.ge [sflag:s20], $0x2800  }
0xb2: {  	s31 =	sadd.s32 $0x1, s31;
	s0 =	sshll.u32 s0, $0x4;
	[sflag:s20] =	ssyncset.done $0x0  }
0xb3: {  	s2 =	sshll.u32 s2, $0x6;
	p0 =	sne.s32 s31, $0x8;
	[sflag:s20] =	ssyncadd.s32 $0xFFFFD800  }
0xb4: {  	s0 =	sadd.s32 s7, s0;
	s2 =	sor.u32 $0x1C03, s2;
	[bflag:$0x0] =	sbarrier.arrive $0xFFFF  }
0xb5: {  	[hbm:s0], [sflag:s2] =	dma.local [spmem:s5], $0x2800  }
.Ltmp1:
0xb6: {  	_ =	swait.ge [sflag:s20], $0x2800;
	(pc) =	sbr.rel @p0 .LBB2_2-.Ltmp1, $3  }
0xb7: {  	[sflag:s20] =	ssyncset.done $0x0  }
0xb8: {  	[sflag:s20] =	ssyncadd.s32 $0xFFFFD800  }
0xb9: {  	[bflag:$0x0] =	sbarrier.arrive $0xFFFF;
	_ =	sdelay $0x1  }
0xba: {  	s2 =	rddreg [dreg:$0x5]  }
0xbb: {  	s0 =	rddreg [dreg:$0x4];
	s2 =	sadd.s32 $0x1, s2  }
0xbc: {  	p0 =	sne.s32 s2, s0  }
.Ltmp2:
0xbd: {  	_ = 	snop;
	(pc) =	sbr.rel @p0 .LBB2_1-.Ltmp2, $1  }
0xbe: {  	_ =	sdelay $0x3  }
0xbf: {  	_ =	sfence.sel $0x180000  }
0xc0: {  	[bflag:$0x0] =	sbarrier.arrive $0xFFFF  }
0xc1: {  	_ =	strace $0x9000004D  }
0xc2: {  	s0 =	stileid.u32;
	[bflag:$0x2] =	sbarrier.arrive $0xFFFF  }
0xc3: {  	p0 =	sne.s32 s0, $0x0;
	s0 =	rddreg [dreg:$0x2]  }
0xc4: {  	s0 =	sadd.s32 @!p0 $0x100000, s0  }
0xc5: {  	[sflag:s0] =	ssyncadd.tile.s32 @!p0 $0x1;
	_ =	shalt  }
.Lfunc_end2:
_tile_overlayer_lowered:
.L_overlay_start_2:
0xc6: {  	(tag) =	ssettag $0x2  }
0xc7: {  	s0 =	rddreg [dreg:$0x0];
	s2 =	stileid.u32  }
0xc8: {  	s1 =	rddreg [dreg:$0x1];
	p0 =	sne.s32 s2, $0x0  }
0xc9: {  	s3 =	rddreg [dreg:$0x2];
	[bflag:$0x3] =	sbarrier.arrive $0xFFFF;
	s2 =	simm.s32 @!p0 $0x1C03  }
0xca: {  	[timem:s3], [sflag:s2] =	dma.local @!p0 [hbm:s0], s1  }
0xcb: {  	s0 =	simm.s32 @!p0 $0x3  }
0xcc: {  	_ =	swait.ge @!p0 [sflag:s0], s1  }
0xcd: {  	s1 =	ssub.s32 @!p0 $0x0, s1;
	[sflag:s0] =	ssyncset.done @!p0 $0x0  }
0xce: {  	[sflag:s0] =	ssyncadd.s32 @!p0 s1  }
0xcf: {  	[bflag:$0x3] =	sbarrier.arrive $0xFFFF  }
0xd0: {  	_ =	shalt  }

// kernel: scatter_offload_async_start
scs
__scs_entry_jumppad:
0x0: {  	(pc) =	sbr.rel $0x88, $3  }
0x1: {  	(tag) =	ssettag $0x0;
	lr =	simm.s32 $0x1  }
0x2: {  	[smem:$0x3F9B] =	sst lr;
	_ =	strace $0xD0000000  }
0x3: {  	_ = 	snop  }
0x4: {  	_ = 	snop  }
0x5: {  	_ = 	snop  }
0x6: {  	_ = 	snop  }
0x7: {  	_ = 	snop  }
__scs_overlays_trampoline_lowered:
0x8: {  	[smem:$0x3FAA] =	sst s0  }
0x9: {  	[smem:$0x3FAB] =	sst s1  }
0xa: {  	[smem:$0x3FAC] =	sst s2  }
0xb: {  	[smem:$0x3FAD] =	sst s3  }
0xc: {  	[smem:$0x3FAE] =	sst s4  }
0xd: {  	[smem:$0x3FAF] =	sst s5  }
0xe: {  	[smem:$0x3FB0] =	sst s6  }
0xf: {  	[smem:$0x3FB1] =	sst s7  }
0x10: {  	[smem:$0x3FB2] =	sst s8  }
0x11: {  	[smem:$0x3FB3] =	sst s9;
	s0 =	simm.s32 @!p0 $0x0  }
0x12: {  	s1 =	sld [smem:$0x3F99];
	s0 =	simm.s32 @p0 $0x1  }
0x13: {  	[smem:$0x3FB4] =	sst s0;
	s0 =	simm.s32 @!p1 $0x0  }
0x14: {  	s2 =	sld [smem:$0x3F98];
	s0 =	simm.s32 @p1 $0x1  }
0x15: {  	[smem:$0x3FB5] =	sst s0;
	s0 =	simm.s32 @!p2 $0x0  }
0x16: {  	s3 =	sld [smem:$0x3FDB];
	s0 =	simm.s32 @p2 $0x1  }
0x17: {  	s4 =	simm.s32 $0x1BF5;
	[smem:$0x3FB7] =	sst s0  }
0x18: {  	s0 =	sld [smem:$0x3F9A];
	_ =	swait.ge [sflag:s4], $0x0  }
0x19: {  	s7 =	sld [smem:$0x3F9B]  }
0x1a: {  	s8 =	sadd.s32 $0xFFFFE003, lr  }
0x1b: {  	s9 =	sadd.s32 $0xFFFFFEF7, lr;
	s5 =	simm.s32 $0xFFFFFFFF;
	p2 =	slt.u32 s8, $0xFFFFF086  }
0x1c: {  	p1 =	slt.u32 s9, $0xF7A;
	s5 =	simm.s32 @!p2 $0x0  }
0x1d: {  	s5 =	simm.s32 @p1 $0x1;
	p0 =	seq.s32 s7, s2  }
0x1e: {  	s7 =	smul.u32 @!p0 $0xF7A, s2;
	p2 =	seq.s32 @!p0 s5, $0x0  }
0x1f: {  	s9 =	smul.u32 $0xF7A, s1;
	s8 =	simm.s32 @!p0 $0x1BF5;
	p2 =	por !p2, p0  }
0x20: {  	[sflag:s8] =	ssyncset.s32 @!p0 $0xFFFFF086;
	s6 =	sadd.s32 @!p0 s3, s7;
	s7 =	simm.s32 @!p0 $0x108  }
0x21: {  	s3 =	sadd.s32 s3, s9;
	s6 =	sadd.s32 @!p0 $0x88, s6;
	s7 =	simm.s32 @p2 $0x1082  }
0x22: {  	[simem:s7], [sflag:s8] =	dma.local @!p0 [hbm:s6], $0xF7A  }
0x23: {  	s9 =	sor.u32 $0xD0000000, s2;
	s6 =	simm.s32 $0x108;
	_ =	swait.ge @!p0 [sflag:s8], $0x0  }
0x24: {  	s3 =	sadd.s32 $0x88, s3;
	s6 =	simm.s32 @!p1 $0x1082;
	[sflag:s4] =	ssyncset.s32 $0xFFFFF086  }
0x25: {  	[simem:s6], [sflag:s4] =	dma.local [hbm:s3], $0xF7A  }
0x26: {  	[smem:$0x3F9B] =	sst s1;
	(tag) =	ssettag s2;
	_ =	strace s9  }
0x27: {  	s1 =	sld [smem:$0x3FAB]  }
0x28: {  	s2 =	sld [smem:$0x3FAC]  }
0x29: {  	s4 =	sld [smem:$0x3FAE]  }
0x2a: {  	p0 =	seq.s32 s5, $0x0;
	s5 =	sld [smem:$0x3FAF]  }
0x2b: {  	s6 =	sld [smem:$0x3FB0]  }
0x2c: {  	s7 =	sld [smem:$0x3FB1]  }
0x2d: {  	s3 =	simm.s32 $0x108;
	s8 =	sld [smem:$0x3FB2]  }
0x2e: {  	s3 =	simm.s32 @!p0 $0x1082;
	s9 =	sld [smem:$0x3FB3]  }
0x2f: {  	lr =	sadd.s32 s0, s3;
	s0 =	sld [smem:$0x3FAA]  }
0x30: {  	s3 =	sld [smem:$0x3FAD]  }
0x31: {  	[smem:$0x3FB6] =	sst s10  }
0x32: {  	s10 =	sld [smem:$0x3FB4];
	_ =	sdelay $0x3  }
0x33: {  	p0 =	seq.s32 s10, $0x1;
	s10 =	sld [smem:$0x3FB6];
	_ =	sdelay $0x3  }
0x34: {  	[smem:$0x3FB6] =	sst s10  }
0x35: {  	s10 =	sld [smem:$0x3FB5];
	_ =	sdelay $0x3  }
0x36: {  	p1 =	seq.s32 s10, $0x1;
	s10 =	sld [smem:$0x3FB6];
	_ =	sdelay $0x3  }
0x37: {  	[smem:$0x3FB6] =	sst s10  }
0x38: {  	s10 =	sld [smem:$0x3FB7]  }
0x39: {  	_ = 	snop;
	(pc) =	sbr.ind lr, $3  }
0x3a: {  	_ = 	snop  }
0x3b: {  	_ = 	snop  }
0x3c: {  	p2 =	seq.s32 s10, $0x1;
	s10 =	sld [smem:$0x3FB6]  }
0x3d: {  	_ =	shalt  }
0x3e: {  	_ =	shalt  }
0x3f: {  	_ =	shalt  }
0x40: {  	_ =	shalt  }
0x41: {  	_ =	shalt  }
0x42: {  	_ =	shalt  }
0x43: {  	_ =	shalt  }
0x44: {  	_ =	shalt  }
0x45: {  	_ =	shalt  }
0x46: {  	_ =	shalt  }
0x47: {  	_ =	shalt  }
0x48: {  	_ =	shalt  }
0x49: {  	_ =	shalt  }
0x4a: {  	_ =	shalt  }
0x4b: {  	_ =	shalt  }
0x4c: {  	_ =	shalt  }
0x4d: {  	_ =	shalt  }
0x4e: {  	_ =	shalt  }
0x4f: {  	_ =	shalt  }
0x50: {  	_ =	shalt  }
0x51: {  	_ =	shalt  }
0x52: {  	_ =	shalt  }
0x53: {  	_ =	shalt  }
0x54: {  	_ =	shalt  }
0x55: {  	_ =	shalt  }
0x56: {  	_ =	shalt  }
0x57: {  	_ =	shalt  }
0x58: {  	_ =	shalt  }
0x59: {  	_ =	shalt  }
0x5a: {  	_ =	shalt  }
0x5b: {  	_ =	shalt  }
0x5c: {  	_ =	shalt  }
0x5d: {  	_ =	shalt  }
0x5e: {  	_ =	shalt  }
0x5f: {  	_ =	shalt  }
0x60: {  	_ =	shalt  }
0x61: {  	_ =	shalt  }
0x62: {  	_ =	shalt  }
0x63: {  	_ =	shalt  }
0x64: {  	_ =	shalt  }
0x65: {  	_ =	shalt  }
0x66: {  	_ =	shalt  }
0x67: {  	_ =	shalt  }
0x68: {  	_ =	shalt  }
0x69: {  	_ =	shalt  }
0x6a: {  	_ =	shalt  }
0x6b: {  	_ =	shalt  }
0x6c: {  	_ =	shalt  }
0x6d: {  	_ =	shalt  }
0x6e: {  	_ =	shalt  }
0x6f: {  	_ =	shalt  }
0x70: {  	_ =	shalt  }
0x71: {  	_ =	shalt  }
0x72: {  	_ =	shalt  }
0x73: {  	_ =	shalt  }
0x74: {  	_ =	shalt  }
0x75: {  	_ =	shalt  }
0x76: {  	_ =	shalt  }
0x77: {  	_ =	shalt  }
0x78: {  	_ =	shalt  }
0x79: {  	_ =	shalt  }
0x7a: {  	_ =	shalt  }
0x7b: {  	_ =	shalt  }
0x7c: {  	_ =	shalt  }
0x7d: {  	_ =	shalt  }
0x7e: {  	_ =	shalt  }
0x7f: {  	_ =	shalt  }
0x80: {  	_ =	shalt  }
0x81: {  	_ =	shalt  }
0x82: {  	_ =	shalt  }
0x83: {  	_ =	shalt  }
0x84: {  	_ =	shalt  }
0x85: {  	_ =	shalt  }
0x86: {  	_ =	shalt  }
0x87: {  	_ =	shalt  }
.Lfunc_end0:
.L_simem_size_0:
called_computation_lowered:
.L_overlay_start_0:
0x88: {  	s0 =	sld [smem:$0x3FD9]  }
0x89: {  	s1 =	sld [smem:$0x3FFE];
	_ =	sdelay $0x3  }
0x8a: {  	s0 =	sadd.s32 s1, s0  }
0x8b: {  	[smem:$0x3FC2] =	sst s0  }
0x8c: {  	_ = 	snop  }
0x8d: {  	(tm) =	ssettm $0x1  }
0x8e: {  	s15 =	sld [smem:$0x3FFB];
	_ =	sdelay $0x3  }
0x8f: {  	_ =	strace s15  }
0x90: {  	s0 =	sld [smem:$0x3FFC];
	_ =	sdelay $0x3  }
0x91: {  	_ =	strace s0  }
0x92: {  	s0 =	sld [smem:$0x3FFD];
	_ =	sdelay $0x3  }
0x93: {  	_ =	strace s0  }
0x94: {  	_ =	strace $0x8FFFFFFF  }
0x95: {  	s16 =	sld [smem:$0x3FDB];
	_ =	sdelay $0x1  }
0x96: {  	s17 =	simm.s32 $_scs_section_size  }
0x97: {  	s2 =	simm.s32 $_size__tile_overlayer_lowered;
	s3 =	simm.s32 $_tile_overlayer_lowered  }
0x98: {  	s20 =	simm.s32 $0x1BFF;
	s19 =	sshll.u32 s3, $0x1;
	s0 =	sadd.s32 s17, s16  }
0x99: {  	s4 =	simm.s32 $0x0;
	s18 =	sshll.u32 s2, $0x1;
	s2 =	sadd.s32 s19, s0  }
0x9a: {  	[timem:s4], [sflag:s20] =	dma.local [hbm:s2], s18  }
0x9b: {  	_ =	swait.ge [sflag:s20], s18  }
0x9c: {  	s1 =	ssub.s32 $0x0, s18;
	[sflag:s20] =	ssyncset.done $0x0  }
0x9d: {  	[sflag:s20] =	ssyncadd.s32 s1;
	_ =	sdelay $0x1  }
0x9e: {  	s21 =	simm.s32 $0x1B8B  }
0x9f: {  	_ =	swait.ge [sflag:s21], $0x1  }
0xa0: {  	[sflag:s21] =	ssyncset.done $0x0  }
0xa1: {  	s23 =	simm.s32 $0x1B8E;
	s22 =	sld [smem:$0x3FFE];
	[sflag:s21] =	ssyncadd.s32 $0xFFFFFFFF  }
0xa2: {  	s24 =	simm.s32 $execute0_lowered;
	[smem:$0x3FD2] =	sst s23  }
0xa3: {  	s2 =	sshll.u32 s24, $0x1;
	_ =	strace $0x80000046;
	[dreg:$0x1] =	wrdreg $0xFFFFFFFF  }
0xa4: {  	s25 =	simm.s32 $_size_execute0_lowered;
	s0 =	sadd.s32 s0, s2;
	[dreg:$0x0] =	wrdreg $0x0  }
0xa5: {  	s2 =	sshll.u32 s25, $0x1;
	[dreg:$0x2] =	wrdreg s0  }
0xa6: {  	[dreg:$0x3] =	wrdreg s2  }
0xa7: {  	[dreg:$0x4] =	wrdreg $0xC0  }
0xa8: {  	_ =	task [dreg:s4], $0x5FFFF  }
0xa9: {  	[dreg:$0x1] =	wrdreg $0xFFFFFFFF  }
0xaa: {  	[dreg:$0x0] =	wrdreg $0x60  }
0xab: {  	[dreg:$0x2] =	wrdreg s22  }
0xac: {  	[dreg:$0x3] =	wrdreg $0x9  }
0xad: {  	_ =	task.clear_ibuf [dreg:s4], $0x4FFFF;
	_ =	strace $0x90000046  }
0xae: {  	s26 =	simm.s32 $0x9;
	_ =	strace $0x80000048  }
0xaf: {  	_ =	swait.ge [sflag:s26], $0x1  }
0xb0: {  	[sflag:s26] =	ssyncadd.s32 $0xFFFFFFFF  }
0xb1: {  	_ =	strace $0x90000048  }
0xb2: {  	_ =	sfence  }
0xb3: {  	s28 =	sld [smem:$0x0];
	_ =	sdelay $0x1  }
0xb4: {  	s29 =	srdreg.scid  }
0xb5: {  	s30 =	sshll.u32 s29, $0xD;
	s31 =	sshrl.u32 s29, $0x2  }
0xb6: {  	s1 =	sand.u32 $0x1, s29;
	s2 =	sand.u32 $0x4000, s30;
	s0 =	sadd.s32 s31, s28  }
0xb7: {  	s1 =	sor.u32 s2, s1;
	s0 =	sshll.u32 s0, $0x11  }
0xb8: {  	s0 =	sor.u32 s0, s1  }
0xb9: {  	s0 =	sadd.s32 $0x8F2B, s0  }
0xba: {  	[sflag:s0] =	ssyncadd.remote.s32 $0x1  }
0xbb: {  	_ =	sfence.sel $0xFFFF  }
0xbc: {  	[dreg:$0x0] =	wrdreg $0xFFFFFFFF;
	(pc) =	sbr.abs _section_cstart, $3  }
0xbd: {  	[dreg:$0x1] =	wrdreg $0xFFFFFFFF  }
0xbe: {  	_ =	task.clear_ibuf [dreg:s4], $0x2FFFF;
	_ =	strace $0x9FFFFFFF  }
0xbf: {  	(tm) =	ssettm $0x7FFFFFFF  }
tec
execute0_lowered:
.L_overlay_start_1:
0x0: {  	(tag) =	ssettag $0x1  }
0x1: {  	s0 =	rddreg [dreg:$0x0]  }
0x2: {  	s14 =	stileid.u32;
	_ =	strace $0x80000047;
	s2 =	simm.s32 $0x1  }
0x3: {  	v1 =	vimm.s32 $0xFFFFFFFF;
	s1 =	smin.u32 s14, $0x4;
	[sflag:s2] =	ssyncpa.u1 $0x0  }
0x4: {  	s1 =	sadd.s32 s14, s1;
	[tilespmem:$0x10] =	vst v1  }
0x5: {  	v0 =	vimm.f32 $0.0e+00;
	p0 =	slt.u32 s14, $0x4;
	[tilespmem:$0x20] =	vst v1;
	s3 =	smul.u32 $0x1F40, s1;
	s1 =	simm.s32 $0x3E80  }
0x6: {  	[tilespmem:$0x30] =	vst v0;
	s1 =	simm.s32 @!p0 $0x1F40  }
0x7: {  	[tilespmem:$0x40] =	vst v0;
	s1 =	sadd.s32 s1, s3  }
0x8: {  	[tilespmem:$0x50] =	vst v0;
	s4 =	smin.u32 s1, $0x27100  }
0x9: {  	[tilespmem:$0x60] =	vst v1;
	s9 =	ssub.s32 s4, s3  }
0xa: {  	s7 =	simm.s32 $0x2;
	s8 =	simm.s32 $0x8;
	[tilespmem:$0x70] =	vst v1;
	p0 =	sgt.s32 s9, $0x0  }
0xb: {  	s31 =	simm.s32 $0x9;
	s16 =	simm.s32 $0x0;
	[tilespmem:$0x80] =	vst v1;
	s9 =	simm.s32 @!p0 $0x0  }
0xc: {  	s17 =	simm.s32 $0xF0;
	s18 =	simm.s32 $0xFFFFFFFF;
	v1 =	vimm.s32 $0x0;
	[tilespmem:$0xB0] =	vst v0;
	s5 =	smulhi.u32 $0x10624DD3, s9  }
0xd: {  	s19 =	simm.s32 $0xFFFFC280;
	s20 =	simm.s32 $0xFFFFFFFE;
	s21 =	simm.s32 $0xF;
	[tilespmem:$0x90] =	vst v1  }
0xe: {  	[tilespmem:$0xA0] =	vst v1;
	[sflag:s7] =	ssyncpa.u1 $0x0;
	s7 =	simm.s32 $0x7;
	s10 =	sshrl.u32 s5, $0x9  }
0xf: {  	s25 =	simm.s32 $0x0;
	[sflag:s7] =	ssyncpa.u1 $0x0;
	s11 =	smul.u32 $0x1F40, s10  }
0x10: {  	s24 =	simm.s32 $0x0;
	s6 =	sadd.s32 $0xF600, s0;
	[sflag:s8] =	ssyncpa.u1 $0x0  }
.Ltmp0:
0x11: {  	s23 =	smov.u32 s3;
	p0 =	sne.s32 s9, s11;
	(pc) =	sbr.rel .LBB2_1-.Ltmp0, $4  }
0x12: {  	s1 =	sadd.s32 $0x14600, s0;
	[sflag:s31] =	ssyncpa.u1 $0x0;
	s2 =	simm.s32 @!p0 $0x0  }
0x13: {  	s5 =	sadd.s32 $0xA600, s0;
	p0 =	por $0x0, $0x0;
	s9 =	sadd.s32 s2, s10  }
0x14: {  	vm0 =	vmmov $0xffff;
	v2 =	vlaneseq.u32;
	s10 =	sshll.u32 s14, $0x1;
	s14 =	sshllo.u32 s14, $0x1;
	s11 =	sadd.s32 $0x1, s9  }
0x15: {  	vm1 =	vmxor vm1, vm1;
	vm2 =	vmmov $0x1;
	vm3 =	vcmask $0x3F3C;
	s12 =	sadd.s32 $0x2, s9;
	s13 =	sor.u32 $0x81, s10;
	s15 =	sor.u32 $0x80, s10  }
.LBB2_9:
0x16: {  	p1 =	slt.u32 s24, $0x3  }
0x17: {  	s0 =	simm.s32 @!p1 $0x2  }
0x18: {  	_ =	swait.ge @!p1 [sflag:s0], $0x1F40  }
0x19: {  	[sflag:s0] =	ssyncset.done @!p1 $0x0  }
0x1a: {  	[sflag:s0] =	ssyncadd.s32 @!p1 $0xFFFFE0C0;
	s0 =	simm.s32 @!p1 $0x9  }
0x1b: {  	_ =	swait.ge @!p1 [sflag:s0], $0x10  }
0x1c: {  	[sflag:s0] =	ssyncset.done @!p1 $0x0  }
0x1d: {  	[sflag:s0] =	ssyncadd.s32 @!p1 $0xFFFFFFF0;
	p1 =	sne.s32 s24, s12  }
.Ltmp1:
0x1e: {  	s2 =	sadd.s32 $0x1F40, s23;
	(pc) =	sbr.rel @!p1 .LBB2_10-.Ltmp1, $4  }
0x1f: {  	s22 =	smov.u32 s3;
	s31 =	sadd.s32 $0x1, s24;
	s17 =	sadd.s32 $0x1F40, s17  }
0x20: {  	s18 =	sadd.s32 $0x1, s18;
	s25 =	smov.u32 s23;
	p2 =	slt.s32 s2, s4  }
0x21: {  	p0 =	por !p0, !p0;
	s19 =	sadd.s32 $0x1F40, s19;
	s22 =	smov.u32 @p2 s2  }
0x22: {  	s20 =	sadd.s32 $0x1, s20;
	s23 =	smov.u32 s22;
	s24 =	smov.u32 s31  }
.LBB2_1:
0x23: {  	p1 =	sge.u32 s24, s9  }
0x24: {  	s0 =	smulhi.u32 @!p1 $0xAAAAAAAB, s24;
	_ =	sdelay $0x1  }
0x25: {  	s0 =	sshrl.u32 @!p1 s0, $0x1  }
0x26: {  	s0 =	smul.u32 @!p1 $0x3, s0;
	_ =	sdelay $0x1  }
0x27: {  	s0 =	ssub.s32 @!p1 s24, s0  }
0x28: {  	s0 =	smul.u32 @!p1 $0x7D00, s0;
	_ =	sdelay $0x1  }
0x29: {  	s2 =	sshrl.u32 @!p1 s23, $0x3;
	s0 =	sshrl.u32 @!p1 s0, $0x2  }
0x2a: {  	s22 =	sand.u32 @!p1 $0x7, s23;
	s2 =	sadd.s32 @!p1 s5, s2;
	s0 =	sadd.s32 @!p1 $0x100, s0  }
0x2b: {  	[tilespmem:s0], [sflag:$0x7] =	stream.linear.gather @!p1 [hbm4b:s2+s22], $0x1F40, $0x38;
	[tilespmem:$0x11A60] =	vst v63  }
0x2c: {  	s0 =	sadd.s32 $0xFFFFFFFF, s24  }
0x2d: {  	p1 =	sge.u32 s0, s9  }
.Ltmp2:
0x2e: {  	_ = 	snop;
	(pc) =	sbr.rel @p1 .LBB2_5-.Ltmp2, $1  }
0x2f: {  	_ =	sdelay $0x3  }
0x30: {  	s2 =	smulhi.u32 $0xAAAAAAAB, s0;
	_ =	sdelay $0x1  }
0x31: {  	s2 =	sshrl.u32 s2, $0x1  }
0x32: {  	s2 =	smul.u32 $0x3, s2;
	_ =	sdelay $0x1  }
0x33: {  	s2 =	ssub.s32 s0, s2  }
0x34: {  	s2 =	smul.u32 $0x7D00, s2  }
0x35: {  	_ =	swait.ge [sflag:s7], $0x1F40  }
0x36: {  	[sflag:s7] =	ssyncset.done $0x0;
	s2 =	sshrl.u32 s2, $0x2  }
0x37: {  	[sflag:s7] =	ssyncadd.s32 $0xFFFFE0C0;
	(ifvalue) =	ssetifvalue $0xFFFFFFFF;
	v3 =	vld.msk [tilespmem:s2+$0x100 ss:$0x1], $0xffff;
	_ =	sdelay $0x2  }
0x38: {  	s30 =	smulhi.u32 $0xAAAAAAAB, s18;
	p1 =	sne.s32 s24, $0x1  }
0x39: {  	v4 =	vimm.s32 @!p1 $0x0  }
0x3a: {  	s2 =	sshrl.u32 s30, $0x1;
	v4 =	vperm.xlane @!p1 v3, v4  }
0x3b: {  	s22 =	sshll.u32 s24, $0x4;
	s2 =	smul.u32 $0xFFFE8900, s2;
	vm4 =	vlt.u32 v3, $0x2800  }
0x3c: {  	s22 =	sand.u32 $0x10, s22;
	v3 =	vnsel vm4, $0xFFFFFFFE, v3;
	vm4 =	vlt.u32 @!p1 v4, $0x2800  }
0x3d: {  	s2 =	sshra.s32 s2, $0x2;
	[tilespmem:s22+$0x60] =	vst v3;
	v3 =	vnsel @!p1 vm4, $0xFFFFFFFE, v4  }
0x3e: {  	s28 =	sadd.s32 s2, s17;
	[tilespmem:$0x80] =	vst @!p1 v3  }
0x3f: {  	v3 =	vld.msk [tilespmem:s28+$0x0 ss:$0x1], $0xffff;
	_ =	sdelay $0x4  }
0x40: {  	(xrf1) =	vunique.msk.u32 $0xffff, v3;
	_ =	sdelay $0xd  }
0x41: {  	v4 =	vimm.s32 $0xFFFFFFFF;
	v5, _, _ =	vpop (xrf1)  }
0x42: {  	vm5 =	vne.s32 v3, v4;
	vm4 =	veq.s32 v5, v2  }
0x43: {  	vm6 =	vlt.u32 v3, $0x2800;
	vm4 =	vmand vm5, vm4  }
0x44: {  	vm4 =	vmand vm6, vm4  }
0x45: {  	v4 =	vnsel vm4, $0xFFFFFFFF, v3  }
0x46: {  	s31 =	sand.u32 $0x1, s0  }
0x47: {  	s0 =	simm.s32 $0x1F40;
	p1 =	seq.s32 s31, $0x1  }
0x48: {  	s0 =	simm.s32 @!p1 $0x0  }
0x49: {  	s26 =	sadd.s32 $0x7DF0, s0;
	(ifvalue) =	ssetifvalue $0xFFFFFFFF  }
0x4a: {  	v3 =	vperm.xlane v3, v1;
	[tilespmem:s26], [sflag:$0x8] =	stream.indirect_vreg.gather [hbm4b:s1+s16], $0x1, v4, vm0, $0x4038;
	v4 =	vnsel vm6, $0xFFFFFFFE, v4;
	[tilespmem:$0x11A60] =	vst v63  }
0x4b: {  	s2 =	simm.s32 $0x0;
	s22 =	sadd.s32 $0xFFFFFFF0, s28;
	[tilespmem:s28+$0x0] =	vst v4  }
.LBB2_3:
0x4c: {  	v4 =	vld.msk [tilespmem:s22+$0x0 ss:$0x1], $0xffff;
	s2 =	sadd.s32 $0x10, s2;
	v5 =	vmov v3;
	s28 =	smov.u32 s22  }
0x4d: {  	p1 =	slt.u32 s2, $0x1F30;
	_ =	sdelay $0x4  }
0x4e: {  	v3 =	vperm.xlane v4, v1;
	(xrf1) =	vunique.msk.u32 $0xffff, v4;
	_ =	sdelay $0xd  }
0x4f: {  	v6, _, _ =	vpop (xrf1)  }
0x50: {  	vm5 =	vne.s32 v4, v5;
	vm4 =	veq.s32 v6, v2  }
0x51: {  	vm6 =	vlt.u32 v4, $0x2800;
	vm4 =	vmand vm5, vm4  }
0x52: {  	vm4 =	vmand vm6, vm4  }
0x53: {  	v4 =	vnsel vm4, $0xFFFFFFFF, v4  }
.Ltmp3:
0x54: {  	v5 =	vnsel vm6, $0xFFFFFFFE, v4;
	(pc) =	sbr.rel @p1 .LBB2_3-.Ltmp3, $3  }
0x55: {  	_ =	sdelay $0x1  }
0x56: {  	s22 =	sadd.s32 $0xFFFFFFF0, s22;
	s26 =	sadd.s32 $0xFFFFFFF0, s26;
	(ifvalue) =	ssetifvalue $0xFFFFFFFF  }
0x57: {  	[tilespmem:s26], [sflag:$0x8] =	stream.indirect_vreg.gather [hbm4b:s1+s16], $0x1, v4, vm0, $0x4038;
	[tilespmem:s28+$0x0] =	vst v5  }
0x58: {  	s2 =	sshrl.u32 s25, $0x3  }
0x59: {  	s0 =	sadd.s32 $0x9D40, s0;
	s2 =	sadd.s32 s6, s2  }
0x5a: {  	[tilespmem:s0], [sflag:$0x8] =	stream.linear.gather [hbm:s2], $0x1F40, $0x38;
	[tilespmem:$0x11A60] =	vst v63  }
.LBB2_5:
0x5b: {  	p1 =	slt.u32 s24, $0x2  }
0x5c: {  	p2 =	sge.u32 @!p1 s24, s12  }
0x5d: {  	p1 =	por p1, p2  }
.Ltmp4:
0x5e: {  	_ = 	snop;
	(pc) =	sbr.rel @p1 .LBB2_9-.Ltmp4, $1  }
0x5f: {  	_ =	sdelay $0x3  }
0x60: {  	s0 =	sadd.s32 $0xFFFFFFFE, s24  }
0x61: {  	s2 =	smulhi.u32 $0xAAAAAAAB, s0;
	_ =	sdelay $0x1  }
0x62: {  	s2 =	sshrl.u32 s2, $0x1  }
0x63: {  	s2 =	smul.u32 $0x3, s2;
	_ =	sdelay $0x1  }
0x64: {  	s0 =	ssub.s32 s0, s2  }
0x65: {  	_ =	swait.ge [sflag:s8], $0x3E80;
	s0 =	smul.u32 $0x1F40, s0  }
0x66: {  	p1 =	sne.s32 s24, s11;
	[sflag:s8] =	ssyncset.done $0x0  }
0x67: {  	[sflag:s8] =	ssyncadd.s32 $0xFFFFC180;
	s2 =	sadd.s32 @!p1 $0x203F, s0  }
0x68: {  	[spmem:s13] =	stream.linear.scatter @!p1 [tilespmem:s2], [sflag:$0x1], $0x1, $0x38;
	[tilespmem:$0x11A60] =	vst v63  }
0x69: {  	s2 =	simm.s32 @!p1 $0x1  }
0x6a: {  	_ =	swait.ge @!p1 [sflag:s2], $0x1  }
0x6b: {  	s22 =	sshll.u32 s24, $0x4;
	[sflag:s2] =	ssyncset.done @!p1 $0x0  }
0x6c: {  	s25 =	sand.u32 $0x10, s22;
	[sflag:s2] =	ssyncadd.s32 @!p1 $0xFFFFFFFF  }
0x6d: {  	s2 =	sxor.u32 $0x10, s25;
	v4 =	vld [tilespmem:s25+$0x10]  }
0x6e: {  	v5 =	vld [tilespmem:s2+$0x60]  }
0x6f: {  	v3 =	vld [tilespmem:$0x80];
	_ =	sdelay $0x2  }
0x70: {  	(v2sf) =	vpush v4, $0x0  }
0x71: {  	(v2sf) =	vpush v5, $0x0  }
0x72: {  	(v2sf) =	vpush v3, $0x0;
	_ =	sdelay $0xc  }
0x73: {  	s22 =	spop (v2sf)  }
0x74: {  	s26 =	spop (v2sf)  }
0x75: {  	s28 =	spop (v2sf)  }
0x76: {  	p2 =	seq.s32 s22, s26;
	p3 =	seq.s32 s28, s22  }
0x77: {  	p3 =	por p2, p3  }
0x78: {  	s26 =	sand.u32 $0x1, s24;
	v4 =	vpsel p3, $0xFFFFFFFF, v4  }
0x79: {  	s29 =	smul.u32 $0x1F40, s26;
	[tilespmem:s25+$0x10] =	vst.msk $0x1, v4  }
0x7a: {  	v4 =	vld [tilespmem:$0x30]  }
0x7b: {  	v5 =	vld [tilespmem:s29+$0x9D40]  }
0x7c: {  	v6 =	vld [tilespmem:s25+$0x40];
	_ =	sdelay $0x3  }
0x7d: {  	vm4 =	vmmov vm1;
	v5 =	vadd.f32 v5, v4  }
0x7e: {  	vm5 =	vmmov vm2;
	vm4 =	vmmov @p2 vm2;
	s22 =	sshll.u32 s26, $0x4;
	v4 =	vadd.f32 v6, v4  }
0x7f: {  	s26 =	sor.u32 $0x11A40, s22;
	vm5 =	vmmov @p3 vm1;
	[tilespmem:s29+$0x9D40] =	vst.msk vm4, v5  }
0x80: {  	[tilespmem:s26+$0x0] =	vst.msk vm5, v4  }
0x81: {  	v4 =	vld [tilespmem:s29+$0x7DF0];
	_ =	sdelay $0x3  }
0x82: {  	v5 =	vimm.f32 $0.0e+00  }
0x83: {  	v4 =	vshift.insert v4, v5, s21  }
0x84: {  	s22 =	sor.u32 $0x40, s2  }
0x85: {  	[tilespmem:s22+$0x0] =	vst.msk $0x1, v4  }
0x86: {  	[tilespmem:s29+$0x7DFF] =	vst.msk $0x1, v5  }
0x87: {  	v4 =	vld [tilespmem:s0+$0x2030];
	_ =	sdelay $0x1  }
0x88: {  	s22 =	smulhi.u32 $0xAAAAAAAB, s20;
	s0 =	simm.s32 $0x1  }
0x89: {  	s0 =	simm.s32 @!p0 $0x0  }
0x8a: {  	s22 =	sshrl.u32 s22, $0x1;
	s0 =	smul.u32 $0x7D00, s0  }
0x8b: {  	s22 =	smul.u32 $0xFFFE8900, s22;
	v4 =	vshift.insert v4, v1, s21  }
0x8c: {  	s0 =	sshrl.u32 s0, $0x2  }
0x8d: {  	s22 =	sshra.s32 s22, $0x2;
	s30 =	sadd.s32 $0x9D40, s0;
	[tilespmem:s2+$0x10] =	vst.msk $0x1, v4  }
0x8e: {  	s22 =	sadd.s32 s22, s19;
	v6 =	vld [tilespmem:s30+$0x0]  }
0x8f: {  	v7 =	vld [tilespmem:s22+$0x0];
	_ =	sdelay $0x3  }
0x90: {  	v5 =	vadd.f32 v6, v5  }
0x91: {  	vm4 =	vne.s32 v7, $0xFFFFFFFF  }
0x92: {  	(xrf2) =	vadd.seg.scan.f32 vm4, v5;
	_ =	sdelay $0x3  }
0x93: {  	s31 =	sadd.s32 $0x5EC0, s0;
	v5 =	vperm.xlane v4, v1  }
0x94: {  	v6 =	vld [tilespmem:s31+$0x0]  }
0x95: {  	vm5 =	veq.s32 v7, v3;
	vm6 =	veq.s32 v7, v5  }
0x96: {  	vm7 =	vgt.u32 v7, $0xFFFFFFFD;
	vm6 =	vmor vm6, vm5  }
0x97: {  	vm6 =	vmor vm6, vm7  }
0x98: {  	v9 =	vld [tilespmem:$0xA0];
	v7 =	vsel vm6, $0xFFFFFFFF, v7  }
0x99: {  	v10 =	vld [tilespmem:$0x90];
	v6 =	vsel vm5, $0x0, v6;
	v8, _, _ =	vpop (xrf2)  }
0x9a: {  	v6 =	vadd.f32 v8, v6  }
0x9b: {  	s0 =	sadd.s32 $0xDBC0, s0  }
0x9c: {  	vm4 =	vmand vm4, vm3;
	[tilespmem:s0+$0x0] =	vst v6;
	(ifvalue) =	ssetifvalue $0xFFFFFFFF  }
0x9d: {  	vm6 =	veq.s32 v9, $0x1;
	[hbm4b:s1+s16] =	stream.indirect_vreg.scatter [tilespmem:s0], [sflag:$0x2], $0x1, v7, vm0, $0x4038;
	v7 =	vsel vm4, $0x0, v8;
	[tilespmem:$0x11A60] =	vst v63  }
0x9e: {  	s2 =	simm.s32 $0x0;
	s22 =	sadd.s32 $0x10, s22;
	vm4 =	vmor vm6, vm5;
	v6 =	vsel vm5, v8, v10;
	v7 =	vshift.insert v7, v0, s21  }
.LBB2_7:
0x9f: {  	v8 =	vld [tilespmem:s22+$0x0];
	s30 =	sadd.s32 $0x10, s30  }
0xa0: {  	s31 =	sadd.s32 $0x10, s31;
	v9 =	vld [tilespmem:s30+$0x0]  }
0xa1: {  	s2 =	sadd.s32 $0x10, s2;
	v10 =	vld [tilespmem:s31+$0x0]  }
0xa2: {  	p2 =	slt.u32 s2, $0x1F30;
	_ =	sdelay $0x2  }
0xa3: {  	v7 =	vadd.f32 v9, v7  }
0xa4: {  	vm5 =	vne.s32 v8, $0xFFFFFFFF  }
0xa5: {  	vm6 =	vmand vm5, vm3;
	(xrf2) =	vadd.seg.scan.f32 vm5, v7;
	_ =	sdelay $0x5  }
0xa6: {  	vm7 =	veq.s32 v8, v5;
	vm5 =	veq.s32 v8, v3  }
0xa7: {  	vm8 =	vgt.u32 v8, $0xFFFFFFFD;
	vm4 =	vmor vm4, vm5;
	vm7 =	vmor vm7, vm5  }
0xa8: {  	vm7 =	vmor vm7, vm8  }
0xa9: {  	v8 =	vsel vm7, $0xFFFFFFFF, v8  }
.Ltmp5:
0xaa: {  	v7 =	vsel vm5, $0x0, v10;
	v9, _, _ =	vpop (xrf2);
	(pc) =	sbr.rel @p2 .LBB2_7-.Ltmp5, $4  }
0xab: {  	v6 =	vsel vm5, v9, v6;
	v10 =	vadd.f32 v9, v7;
	v7 =	vsel vm6, $0x0, v9  }
0xac: {  	s0 =	sadd.s32 $0x10, s0;
	v7 =	vshift.insert v7, v0, s21  }
0xad: {  	s22 =	sadd.s32 $0x10, s22;
	[tilespmem:s0+$0x0] =	vst v10;
	(ifvalue) =	ssetifvalue $0xFFFFFFFF  }
0xae: {  	[hbm4b:s1+s16] =	stream.indirect_vreg.scatter [tilespmem:s0], [sflag:$0x2], $0x1, v8, vm0, $0x4038;
	[tilespmem:$0x11A60] =	vst v63  }
0xaf: {  	v3 =	vld [tilespmem:s29+$0xFAF0];
	_ =	sdelay $0x4  }
0xb0: {  	v3 =	vshift.insert v3, v0, s21  }
0xb1: {  	s0 =	simm.s32 $0x30  }
0xb2: {  	[tilespmem:s0+$0x0] =	vst.msk $0x1, v3  }
0xb3: {  	v3 =	vsel vm4, $0x1, v1;
	[tilespmem:$0x90] =	vst v6  }
0xb4: {  	s0 =	sadd.s32 @!p1 $0xFAFF, s29;
	[tilespmem:$0xA0] =	vst v3  }
0xb5: {  	[spmem:s14] =	stream.linear.scatter @!p1 [tilespmem:s0], [sflag:$0x1], $0x1, $0x38;
	[tilespmem:$0x11A60] =	vst v63  }
0xb6: {  	s0 =	simm.s32 @!p1 $0x1  }
0xb7: {  	v3 =	vmctz.xlane @!p1 vm4;
	_ =	swait.ge @!p1 [sflag:s0], $0x1  }
0xb8: {  	(v2sf) =	vpush @!p1 v4, $0x0  }
0xb9: {  	(v2sf) =	vpush @!p1 v3, $0x0;
	_ =	sdelay $0xd  }
0xba: {  	s2 =	spop @!p1 (v2sf)  }
0xbb: {  	s22 =	spop @!p1 (v2sf)  }
0xbc: {  	p2 =	sne.s32 @!p1 s28, s2;
	p3 =	slt.s32 @!p1 s22, $0xF  }
0xbd: {  	[sflag:s0] =	ssyncset.done @!p1 $0x0;
	p2 =	por p2, p1;
	p3 =	por !p3, p1  }
0xbe: {  	[sflag:s0] =	ssyncadd.s32 @!p1 $0xFFFFFFFF;
	v3 =	vimm.s32 @!p2 $0xFFFFFFFF;
	s22 =	simm.s32 @p3 $0xF  }
0xbf: {  	[tilespmem:$0x80] =	vst @!p2 v3;
	s2 =	sadd.s32 @!p1 $0x90, s22  }
0xc0: {  	[spmem:s10] =	stream.linear.scatter @!p1 [tilespmem:s2], [sflag:$0x1], $0x1, $0x38;
	[tilespmem:$0x11A60] =	vst v63  }
0xc1: {  	_ =	swait.ge @!p1 [sflag:s0], $0x1  }
0xc2: {  	[sflag:s0] =	ssyncset.done @!p1 $0x0  }
0xc3: {  	s2 =	simm.s32 @!p1 $0x80;
	[sflag:s0] =	ssyncadd.s32 @!p1 $0xFFFFFFFF  }
0xc4: {  	[spmem:s15] =	stream.linear.scatter @!p1 [tilespmem:s2], [sflag:$0x1], $0x1, $0x38;
	[tilespmem:$0x11A60] =	vst v63  }
0xc5: {  	_ =	swait.ge @!p1 [sflag:s0], $0x1  }
0xc6: {  	[sflag:s0] =	ssyncset.done @!p1 $0x0  }
0xc7: {  	[sflag:s0] =	ssyncadd.s32 @!p1 $0xFFFFFFFF;
	(ifvalue) =	ssetifvalue $0xFFFFFFFF;
	v3 =	vld [tilespmem:s25+$0x10];
	_ =	sdelay $0x3  }
.Ltmp6:
0xc8: {  	_ = 	snop;
	(pc) =	sbr.rel .LBB2_9-.Ltmp6, $3  }
0xc9: {  	_ =	sdelay $0x1  }
0xca: {  	(ifvalue) =	ssetifvalue $0xFFFFFFFF  }
0xcb: {  	[hbm4b:s1+s16] =	stream.indirect_vreg.scatter [tilespmem:s26], [sflag:$0x9], $0x1, v3, vm0, $0x4038;
	[tilespmem:$0x11A60] =	vst v63  }
.LBB2_10:
0xcc: {  	_ =	sfence.sel $0x180000  }
0xcd: {  	s0 =	simm.s32 $0x7;
	[bflag:$0x0] =	sbarrier.arrive $0xFFFF  }
0xce: {  	s26 =	simm.s32 $0x8;
	[sflag:s0] =	ssyncpa.u1 $0x1  }
0xcf: {  	s28 =	simm.s32 $0x9;
	[sflag:s26] =	ssyncpa.u1 $0x1  }
0xd0: {  	[sflag:s28] =	ssyncpa.u1 $0x1  }
0xd1: {  	_ =	sfence.stream.spmem  }
0xd2: {  	s29 =	simm.s32 $0x3;
	[bflag:$0x0] =	sbarrier.arrive $0xFFFF  }
0xd3: {  	s30 =	simm.s32 $0x4;
	[sflag:s29] =	ssyncpa.u1 $0x1  }
0xd4: {  	s31 =	simm.s32 $0x3C;
	s2 =	stileid.u32;
	[sflag:s30] =	ssyncpa.u1 $0x1  }
0xd5: {  	p0 =	sne.s32 s2, $0x0;
	[sflag:s31] =	ssyncpa.u1 $0x1  }
0xd6: {  	s0 =	simm.s32 @p0 $0x1;
	_ =	sfence @p0  }
0xd7: {  	[sflag:s0] =	ssyncpa.u1 @p0 $0x1;
	s0 =	simm.s32 @p0 $0x2  }
0xd8: {  	[sflag:s0] =	ssyncpa.u1 @p0 $0x1  }
0xd9: {  	_ =	strace @p0 $0x90000047  }
0xda: {  	[bflag:$0x2] =	sbarrier.arrive @p0 $0xFFFF  }
0xdb: {  	_ =	shalt @p0  }
.LBB2_11:
0xdc: {  	_ =	sfence.stream.spmem;
	s0 =	simm.s32 $0x5  }
0xdd: {  	s2 =	simm.s32 $0x80;
	s3 =	simm.s32 $0xC0;
	[sflag:s0] =	ssyncpa.u1 $0x0  }
0xde: {  	[tilespmem:s3], [sflag:$0x5] =	stream.linear.gather [spmem:s2], $0x20, $0x38;
	[tilespmem:$0x11A60] =	vst v63  }
0xdf: {  	s2 =	simm.s32 $0x0;
	s3 =	simm.s32 $0xE0  }
0xe0: {  	[tilespmem:s3], [sflag:$0x5] =	stream.linear.gather [spmem:s2], $0x20, $0x38;
	[tilespmem:$0x11A60] =	vst v63  }
.Ltmp7:
0xe1: {  	_ = 	snop;
	(pc) =	sbr.rel .LBB2_12-.Ltmp7, $4  }
0xe2: {  	_ =	swait.ge [sflag:s0], $0x40  }
0xe3: {  	[sflag:s0] =	ssyncset.done $0x0  }
0xe4: {  	s31 =	simm.s32 $0x6;
	[sflag:s0] =	ssyncadd.s32 $0xFFFFFFC0  }
0xe5: {  	s4 =	simm.s32 $0x0;
	[sflag:s31] =	ssyncpa.u1 $0x0  }
.LBB2_17:
0xe6: {  	p0 =	sgt.u32 s5, $0x27FF  }
0xe7: {  	s0 =	sshrl.u32 @!p0 s5, $0x3  }
0xe8: {  	s5 =	sand.u32 @!p0 $0x7, s5;
	s6 =	simm.s32 @!p0 $0xB0;
	s0 =	sadd.s32 @!p0 s1, s0  }
0xe9: {  	[tilespmem:s6], [sflag:$0x6] =	stream.linear.gather @!p0 [hbm4b:s0+s5], $0x1, $0x38;
	[tilespmem:$0x11A60] =	vst v63  }
0xea: {  	s0 =	simm.s32 @!p0 $0x6  }
0xeb: {  	_ =	swait.ge @!p0 [sflag:s0], $0x1  }
0xec: {  	[sflag:s0] =	ssyncset.done @!p0 $0x0  }
0xed: {  	[sflag:s0] =	ssyncadd.s32 @!p0 $0xFFFFFFFF  }
0xee: {  	v2 =	vmov @!p0 s4;
	v1 =	vld.msk @!p0 [tilespmem:$0xB0], $0x1;
	_ =	sdelay $0x3  }
0xef: {  	s0 =	simm.s32 @!p0 $0xE0  }
0xf0: {  	[tilespmem:v2+s0+$0x0], v1 =	vst.idx.ret.add.f32.msk @!p0 $0x1, v1  }
0xf1: {  	[tilespmem:s2+$0xC0] =	vst.msk $0x1, v0  }
0xf2: {  	v0 =	vld.msk [tilespmem:s4+$0xE0], $0x1;
	_ =	sdelay $0x4  }
0xf3: {  	[tilespmem:s2+$0xE0] =	vst.msk $0x1, v0;
	s2 =	sadd.s32 $0x1, s2  }
.LBB2_19:
0xf4: {  	s4 =	sadd.s32 $0x1, s4  }
0xf5: {  	p0 =	sne.s32 s4, $0x20  }
.Ltmp8:
0xf6: {  	_ = 	snop;
	(pc) =	sbr.rel @!p0 .LBB2_20-.Ltmp8, $1  }
0xf7: {  	_ =	sdelay $0x3  }
.LBB2_12:
0xf8: {  	v0 =	vld.msk [tilespmem:s4+$0xC0], $0x1;
	_ =	sdelay $0x4  }
0xf9: {  	(v2sf) =	vpush v0, $0x0;
	_ =	sdelay $0xe  }
0xfa: {  	s5 =	spop (v2sf)  }
0xfb: {  	p0 =	seq.s32 s5, $0xFFFFFFFF  }
.Ltmp9:
0xfc: {  	_ = 	snop;
	(pc) =	sbr.rel @p0 .LBB2_19-.Ltmp9, $1  }
0xfd: {  	_ =	sdelay $0x3  }
0xfe: {  	p0 =	slt.s32 s2, $0x1  }
.Ltmp10:
0xff: {  	_ = 	snop;
	(pc) =	sbr.rel @p0 .LBB2_17-.Ltmp10, $1  }
0x100: {  	_ =	sdelay $0x3  }
0x101: {  	s0 =	simm.s32 $0xC0;
	p0 =	por $0x0, $0x0  }
0x102: {  	v1 =	vld.msk @!p0 [tilespmem:s0+$0x0], $0x1;
	_ =	sdelay $0x4  }
0x103: {  	(v2sf) =	vpush @!p0 v1, $0x0;
	_ =	sdelay $0xd  }
0x104: {  	p2 =	sne.s32 s2, $0x1  }
.Ltmp11:
0x105: {  	s6 =	spop @!p0 (v2sf);
	(pc) =	sbr.rel @!p2 .LBB2_16-.Ltmp11, $4  }
0x106: {  	p1 =	seq.s32 @!p0 s5, s6  }
0x107: {  	s6 =	simm.s32 $0x0;
	p1 =	por !p1, p0  }
0x108: {  	s8 =	simm.s32 $0xFFFFFFFF;
	s6 =	simm.s32 @p1 $0xFFFFFFFF  }
0x109: {  	s7 =	simm.s32 $0x1;
	s6 =	smov.u32 @p0 s8  }
.LBB2_15:
0x10a: {  	s8 =	smov.u32 s6;
	p0 =	sne.s32 s6, $0xFFFFFFFF  }
0x10b: {  	s0 =	sadd.s32 $0x1, s0;
	s6 =	smov.u32 s7;
	s7 =	sadd.s32 $0x1, s7  }
0x10c: {  	p1 =	sne.s32 s2, s7;
	v1 =	vld.msk @!p0 [tilespmem:s0+$0x0], $0x1;
	_ =	sdelay $0x4  }
0x10d: {  	(v2sf) =	vpush @!p0 v1, $0x0;
	_ =	sdelay $0xe  }
.Ltmp12:
0x10e: {  	s9 =	spop @!p0 (v2sf);
	(pc) =	sbr.rel @p1 .LBB2_15-.Ltmp12, $4  }
0x10f: {  	p2 =	seq.s32 @!p0 s5, s9  }
0x110: {  	p2 =	por !p2, p0  }
0x111: {  	s6 =	simm.s32 @p2 $0xFFFFFFFF  }
0x112: {  	s6 =	smov.u32 @p0 s8  }
.LBB2_16:
0x113: {  	p0 =	sne.s32 s6, $0xFFFFFFFF  }
.Ltmp13:
0x114: {  	_ = 	snop;
	(pc) =	sbr.rel @!p0 .LBB2_17-.Ltmp13, $1  }
0x115: {  	_ =	sdelay $0x3  }
0x116: {  	v0 =	vld.msk [tilespmem:s4+$0xE0], $0x1;
	v1 =	vmov s6  }
.Ltmp14:
0x117: {  	_ = 	snop;
	(pc) =	sbr.rel .LBB2_19-.Ltmp14, $2  }
0x118: {  	_ =	sdelay $0x2  }
0x119: {  	[tilespmem:v1+s3+$0x0], v0 =	vst.idx.ret.add.f32.msk $0x1, v0  }
.LBB2_20:
0x11a: {  	p0 =	slt.s32 s2, $0x1  }
.Ltmp15:
0x11b: {  	_ = 	snop;
	(pc) =	sbr.rel @p0 .LBB2_24-.Ltmp15, $3  }
0x11c: {  	_ =	sdelay $0x1  }
0x11d: {  	s0 =	simm.s32 $0x6  }
0x11e: {  	s3 =	simm.s32 $0x0;
	[sflag:s0] =	ssyncpa.u1 $0x1  }
0x11f: {  	s0 =	simm.s32 $0xC0  }
0x120: {  	v0 =	vld.msk [tilespmem:s0+$0x0], $0x1;
	_ =	sdelay $0x4  }
0x121: {  	(v2sf) =	vpush v0, $0x0;
	_ =	sdelay $0xe  }
0x122: {  	s2 =	sadd.s32 $0xFFFFFFFF, s2;
	s4 =	spop (v2sf)  }
0x123: {  	p1 =	sne.s32 s2, $0x0;
	p0 =	sgt.u32 s4, $0x27FF  }
.Ltmp16:
0x124: {  	s5 =	sshrl.u32 @!p0 s4, $0x3;
	(pc) =	sbr.rel @!p1 .LBB2_23-.Ltmp16, $4  }
0x125: {  	s0 =	simm.s32 $0xE0;
	s4 =	sand.u32 @!p0 $0x7, s4;
	s5 =	sadd.s32 @!p0 s1, s5  }
0x126: {  	[hbm4b:s5+s4] =	stream.linear.scatter @!p0 [tilespmem:s0], [sflag:$0x5], $0x1, $0x38;
	[tilespmem:$0x11A60] =	vst v63  }
0x127: {  	s5 =	simm.s32 $0x0  }
0x128: {  	s4 =	simm.s32 $0xC1;
	s5 =	simm.s32 @!p0 $0x4  }
.LBB2_22:
0x129: {  	v0 =	vld.msk [tilespmem:s4+$0x0], $0x1;
	s2 =	sadd.s32 $0xFFFFFFFF, s2;
	s3 =	sadd.s32 s3, s5  }
0x12a: {  	p0 =	sne.s32 s2, $0x0;
	_ =	sdelay $0x3  }
0x12b: {  	(v2sf) =	vpush v0, $0x0;
	_ =	sdelay $0xe  }
.Ltmp17:
0x12c: {  	s6 =	spop (v2sf);
	(pc) =	sbr.rel @p0 .LBB2_22-.Ltmp17, $4  }
0x12d: {  	s5 =	simm.s32 $0x0;
	p1 =	sgt.u32 s6, $0x27FF  }
0x12e: {  	s0 =	sadd.s32 $0x1, s0;
	s5 =	simm.s32 @!p1 $0x4;
	s7 =	sshrl.u32 @!p1 s6, $0x3  }
0x12f: {  	s4 =	sadd.s32 $0x1, s4;
	s6 =	sand.u32 @!p1 $0x7, s6;
	s7 =	sadd.s32 @!p1 s1, s7  }
0x130: {  	[hbm4b:s7+s6] =	stream.linear.scatter @!p1 [tilespmem:s0], [sflag:$0x5], $0x1, $0x38;
	[tilespmem:$0x11A60] =	vst v63  }
.LBB2_23:
0x131: {  	s0 =	sadd.s32 s3, s5  }
0x132: {  	s3 =	sshrl.u32 s0, $0x2  }
.LBB2_24:
0x133: {  	s0 =	simm.s32 $0x5  }
0x134: {  	_ =	swait.ge [sflag:s0], s3  }
0x135: {  	s1 =	ssub.s32 $0x0, s3;
	[sflag:s0] =	ssyncset.done $0x0  }
0x136: {  	[sflag:s0] =	ssyncadd.s32 s1  }
0x137: {  	[sflag:s0] =	ssyncpa.u1 $0x1  }
0x138: {  	s29 =	simm.s32 $0x1;
	_ =	sfence  }
0x139: {  	s30 =	simm.s32 $0x2;
	[sflag:s29] =	ssyncpa.u1 $0x1  }
0x13a: {  	[sflag:s30] =	ssyncpa.u1 $0x1  }
0x13b: {  	_ =	strace $0x90000047  }
0x13c: {  	[bflag:$0x2] =	sbarrier.arrive $0xFFFF  }
0x13d: {  	s31 =	rddreg [dreg:$0x1]  }
0x13e: {  	s0 =	sadd.s32 $0x100000, s31  }
0x13f: {  	[sflag:s0] =	ssyncadd.tile.s32 $0x1;
	_ =	shalt  }
.Lfunc_end2:
_tile_overlayer_lowered:
.L_overlay_start_2:
0x140: {  	(tag) =	ssettag $0x2  }
0x141: {  	s0 =	rddreg [dreg:$0x0];
	s2 =	stileid.u32  }
0x142: {  	s1 =	rddreg [dreg:$0x1];
	p0 =	sne.s32 s2, $0x0  }
0x143: {  	s3 =	rddreg [dreg:$0x2];
	[bflag:$0x3] =	sbarrier.arrive $0xFFFF;
	s2 =	simm.s32 @!p0 $0x1C01  }
0x144: {  	[timem:s3], [sflag:s2] =	dma.local @!p0 [hbm:s0], s1  }
0x145: {  	s0 =	simm.s32 @!p0 $0x1  }
0x146: {  	_ =	swait.ge @!p0 [sflag:s0], s1  }
0x147: {  	s1 =	ssub.s32 @!p0 $0x0, s1;
	[sflag:s0] =	ssyncset.done @!p0 $0x0  }
0x148: {  	[sflag:s0] =	ssyncadd.s32 @!p0 s1  }
0x149: {  	[bflag:$0x3] =	sbarrier.arrive $0xFFFF  }
0x14a: {  	_ =	shalt  }

</sc_bundles>
